<compile_context>
chip_gen: v7x
topology: tpu7x:2x2x1
jax: 0.10.2.dev20260603
libtpu: 0.0.44.dev20260713+nightly
codegen_flags: <defaults>
</compile_context>

<pallas_src>
import functools

import jax
import jax.numpy as jnp
from jax import lax
from jax.experimental import pallas as pl
from jax.experimental.pallas import tpu as pltpu
from jax.experimental.pallas import tpu_sc as plsc


def _knn_select_kernel(xyz1t_ref, xyz2_ref, iv_ref, wv_ref):
    q = xyz1t_ref[0]
    k = xyz2_ref[0]
    N = q.shape[0]
    S = k.shape[1]
    b = pl.program_id(0)
    qk = jax.lax.dot_general(
        q, k, (((1,), (0,)), ((), ())),
        preferred_element_type=jnp.float32)
    n1 = q[:, 0:1] * q[:, 0:1]
    n1 = n1 + q[:, 1:2] * q[:, 1:2]
    n1 = n1 + q[:, 2:3] * q[:, 2:3]
    n2 = k[0:1, :] * k[0:1, :]
    n2 = n2 + k[1:2, :] * k[1:2, :]
    n2 = n2 + k[2:3, :] * k[2:3, :]
    d = -2.0 * qk
    d = d + n1
    d = d + n2
    lane = jax.lax.broadcasted_iota(jnp.int32, (N, S), 1)
    mvs = []
    idxs = []
    for _ in range(3):
        mv = jnp.min(d, axis=1, keepdims=True)
        t = jnp.where(d == mv, lane, S)
        idx = jnp.min(t, axis=1, keepdims=True)
        eqm = t == idx
        mvs.append(mv)
        idxs.append(idx)
        d = jnp.where(eqm, jnp.inf, d)
    r = [1.0 / (mv + 1e-8) for mv in mvs]
    norm = r[0] + r[1] + r[2]
    for kk in range(3):
        iv_ref[:, 0, 0, kk:kk + 1] = idxs[kk] + b * S
        wv_ref[:, 0, 0, kk:kk + 1] = r[kk] / norm
    wv_ref[:, 0, 0, 3:4] = jnp.zeros((N, 1), jnp.float32)


def _make_sc_gather(NB, D):
    info = plsc.get_sparse_core_info()
    NC, NS = info.num_cores, info.num_subcores
    NW = NC * NS
    per_w = (NB * 3) // NW
    CH = 384
    nch = per_w // CH
    mesh = plsc.VectorSubcoreMesh(core_axis_name="c", subcore_axis_name="s")

    @functools.partial(
        pl.kernel, mesh=mesh,
        out_type=jax.ShapeDtypeStruct((NB * 3, D), jnp.float32),
        scratch_types=[
            pltpu.VMEM((CH,), jnp.int32),
            pltpu.VMEM((CH,), jnp.int32),
            pltpu.VMEM((CH, D), jnp.float32),
            pltpu.VMEM((CH, D), jnp.float32),
            pltpu.SemaphoreType.DMA,
            pltpu.SemaphoreType.DMA,
        ],
    )
    def sc_gather(table_hbm, iv_hbm, out_hbm,
                  idx0, idx1, rows0, rows1, sem0, sem1):
        wid = lax.axis_index("s") * NC + lax.axis_index("c")
        idxs = [idx0, idx1]
        rows = [rows0, rows1]
        sems = [sem0, sem1]
        handles = [None, None]

        pltpu.sync_copy(iv_hbm.at[pl.ds(wid * per_w, CH)], idx0)
        handles[0] = pltpu.async_copy(table_hbm.at[idx0], rows0, sem0)
        for cc in range(nch):
            cur = cc % 2
            nxt = (cc + 1) % 2
            if cc + 1 < nch:
                nbase = wid * per_w + (cc + 1) * CH
                pltpu.sync_copy(iv_hbm.at[pl.ds(nbase, CH)], idxs[nxt])
                handles[nxt] = pltpu.async_copy(
                    table_hbm.at[idxs[nxt]], rows[nxt], sems[nxt])
            handles[cur].wait()
            base = wid * per_w + cc * CH
            pltpu.sync_copy(rows[cur], out_hbm.at[pl.ds(base, CH)])

    return sc_gather


def _wsum_kernel(x_ref, w_ref, out_ref):
    D = out_ref.shape[1]
    acc = w_ref[:, 0:1] * x_ref[:, 0:D]
    acc = acc + w_ref[:, 1:2] * x_ref[:, D:2 * D]
    acc = acc + w_ref[:, 2:3] * x_ref[:, 2 * D:3 * D]
    out_ref[...] = acc


def _bn_relu(x1, b_ref, g_ref, be_ref, out_ref):
    x1 = x1 + b_ref[...]
    bl = x1.shape[1]
    m = jnp.sum(x1, axis=1, keepdims=True) / bl
    xc = x1 - m
    v = jnp.sum(xc * xc, axis=1, keepdims=True) / bl
    xh = xc * jax.lax.rsqrt(v + 1e-5)
    y = g_ref[...] * xh + be_ref[...]
    out_ref[...] = jnp.maximum(y, 0.0)


def _mm_kernel(w_ref, x_ref, out_ref):
    out_ref[...] = jax.lax.dot_general(
        w_ref[...], x_ref[...], (((1,), (1,)), ((), ())),
        preferred_element_type=jnp.float32)


def _mm_bn_relu_kernel(w_ref, x_ref, b_ref, g_ref, be_ref, out_ref):
    x1 = jax.lax.dot_general(
        w_ref[...], x_ref[...], (((1,), (0,)), ((), ())),
        preferred_element_type=jnp.float32)
    _bn_relu(x1, b_ref, g_ref, be_ref, out_ref)


def _mm_add_bn_relu_kernel(w_ref, x_ref, p_ref, b_ref, g_ref, be_ref,
                           out_ref):
    x1 = p_ref[...] + jax.lax.dot_general(
        w_ref[...], x_ref[...], (((1,), (0,)), ((), ())),
        preferred_element_type=jnp.float32)
    _bn_relu(x1, b_ref, g_ref, be_ref, out_ref)


def kernel(xyz1, xyz2, points1, points2, W1, b1, g1, be1, W2, b2, g2, be2):
    B, _, N = xyz1.shape
    S = xyz2.shape[2]
    D = points2.shape[1]
    c1 = W1.shape[0]
    c2 = W2.shape[0]
    BL = B * D
    NB = N * B

    xyz1t = jnp.transpose(xyz1, (0, 2, 1))

    iv, wv = pl.pallas_call(
        _knn_select_kernel,
        grid=(B,),
        in_specs=[
            pl.BlockSpec((1, N, 3), lambda b: (b, 0, 0)),
            pl.BlockSpec((1, 3, S), lambda b: (b, 0, 0)),
        ],
        out_specs=[
            pl.BlockSpec((N, 1, 1, 3), lambda b: (0, b, 0, 0)),
            pl.BlockSpec((N, 1, 1, 4), lambda b: (0, b, 0, 0)),
        ],
        out_shape=[
            jax.ShapeDtypeStruct((N, B, 1, 3), jnp.int32),
            jax.ShapeDtypeStruct((N, B, 1, 4), jnp.float32),
        ],
    )(xyz1t, xyz2)

    table = jnp.transpose(points2, (0, 2, 1)).reshape(B * S, D)
    rows3 = _make_sc_gather(NB, D)(table, iv.reshape(NB * 3))

    interp_rows = pl.pallas_call(
        _wsum_kernel,
        grid=(8,),
        in_specs=[
            pl.BlockSpec((NB // 8, 3 * D), lambda r: (r, 0)),
            pl.BlockSpec((NB // 8, 4), lambda r: (r, 0)),
        ],
        out_specs=pl.BlockSpec((NB // 8, D), lambda r: (r, 0)),
        out_shape=jax.ShapeDtypeStruct((NB, D), jnp.float32),
    )(rows3.reshape(NB, 3 * D), wv.reshape(NB, 4))
    interp2d = interp_rows.reshape(N, BL)

    p1r = points1.reshape(BL, N)

    part1 = pl.pallas_call(
        _mm_kernel,
        grid=(c1 // 256,),
        in_specs=[
            pl.BlockSpec((256, N), lambda r: (r, 0)),
            pl.BlockSpec((BL, N), lambda r: (0, 0)),
        ],
        out_specs=pl.BlockSpec((256, BL), lambda r: (r, 0)),
        out_shape=jax.ShapeDtypeStruct((c1, BL), jnp.float32),
    )(W1[:, :N], p1r)

    y1 = pl.pallas_call(
        _mm_add_bn_relu_kernel,
        grid=(c1 // 256,),
        in_specs=[
            pl.BlockSpec((256, N), lambda r: (r, 0)),
            pl.BlockSpec((N, BL), lambda r: (0, 0)),
            pl.BlockSpec((256, BL), lambda r: (r, 0)),
            pl.BlockSpec((256, 1), lambda r: (r, 0)),
            pl.BlockSpec((256, 1), lambda r: (r, 0)),
            pl.BlockSpec((256, 1), lambda r: (r, 0)),
        ],
        out_specs=pl.BlockSpec((256, BL), lambda r: (r, 0)),
        out_shape=jax.ShapeDtypeStruct((c1, BL), jnp.float32),
    )(W1[:, N:], interp2d, part1,
      b1.reshape(c1, 1), g1.reshape(c1, 1), be1.reshape(c1, 1))

    y2 = pl.pallas_call(
        _mm_bn_relu_kernel,
        grid=(c2 // 256,),
        in_specs=[
            pl.BlockSpec((256, c1), lambda r: (r, 0)),
            pl.BlockSpec((c1, BL), lambda r: (0, 0)),
            pl.BlockSpec((256, 1), lambda r: (r, 0)),
            pl.BlockSpec((256, 1), lambda r: (r, 0)),
            pl.BlockSpec((256, 1), lambda r: (r, 0)),
        ],
        out_specs=pl.BlockSpec((256, BL), lambda r: (r, 0)),
        out_shape=jax.ShapeDtypeStruct((c2, BL), jnp.float32),
    )(W2, y1, b2.reshape(c2, 1), g2.reshape(c2, 1), be2.reshape(c2, 1))

    return jnp.transpose(y2.reshape(c2, B, D), (1, 0, 2))

# --- scband reference (transcript-rebuilt; emitter-appended) ---
"""Pipeline reference for scband-point-net-feature-propagation-2508260901535 (READ-ONLY COPY).

The authoritative reference and input builder live on the scoring server;
editing this copy changes nothing except your own understanding.
"""

import jax, jax.numpy as jnp
import numpy as np


def square_distance(src, dst):
    # src [B,N,C], dst [B,M,C] -> [B,N,M]
    d = -2.0 * jnp.matmul(src, jnp.transpose(dst, (0, 2, 1)))
    d = d + jnp.sum(src ** 2, axis=-1)[:, :, None]
    d = d + jnp.sum(dst ** 2, axis=-1)[:, None, :]
    return d


def index_points(points, idx):
    # points [B,S,D], idx [B,N,K] -> [B,N,K,D]
    return jax.vmap(lambda p, i: p[i])(points, idx)


def batchnorm1d(x, gamma, beta, eps=1e-5):
    # x [B,C,L]; training-mode batch stats over (B, L)
    m = jnp.mean(x, axis=(0, 2), keepdims=True)
    v = jnp.var(x, axis=(0, 2), keepdims=True)
    xh = (x - m) / jnp.sqrt(v + eps)
    return gamma[None, :, None] * xh + beta[None, :, None]


def setup_inputs(seed: int = 0) -> dict:
    key = jax.random.key(seed)
    ks = jax.random.split(key, 8)
    B, N, S, D = 8, 2048, 512, 128
    in_channel = 2 * N  # 4096, per buggy cat along dim=1
    c1, c2 = 1024, 512
    inp = {}
    inp['xyz1'] = jax.random.normal(ks[0], (B, 3, N), dtype=jnp.float32)
    inp['xyz2'] = jax.random.normal(ks[1], (B, 3, S), dtype=jnp.float32)
    inp['points1'] = jax.random.normal(ks[2], (B, D, N), dtype=jnp.float32)
    inp['points2'] = jax.random.normal(ks[3], (B, D, S), dtype=jnp.float32)
    inp['W1'] = jax.random.normal(ks[4], (c1, in_channel), dtype=jnp.float32) * 0.02
    inp['b1'] = jnp.zeros((c1,), dtype=jnp.float32)
    inp['g1'] = jnp.ones((c1,), dtype=jnp.float32)
    inp['be1'] = jnp.zeros((c1,), dtype=jnp.float32)
    inp['W2'] = jax.random.normal(ks[5], (c2, c1), dtype=jnp.float32) * 0.02
    inp['b2'] = jnp.zeros((c2,), dtype=jnp.float32)
    inp['g2'] = jnp.ones((c2,), dtype=jnp.float32)
    inp['be2'] = jnp.zeros((c2,), dtype=jnp.float32)
    return inp


def reference(xyz1, xyz2, points1, points2, W1, b1, g1, be1, W2, b2, g2, be2):
    xyz1p = jnp.transpose(xyz1, (0, 2, 1))   # [B,N,3]
    xyz2p = jnp.transpose(xyz2, (0, 2, 1))   # [B,S,3]
    pts2 = jnp.transpose(points2, (0, 2, 1)) # [B,S,D]
    B, N, C = xyz1p.shape
    S = xyz2p.shape[1]
    dists = square_distance(xyz1p, xyz2p)    # [B,N,S]
    idx = jnp.argsort(dists, axis=-1)[:, :, :3]
    d3 = jnp.sort(dists, axis=-1)[:, :, :3]
    dist_recip = 1.0 / (d3 + 1e-08)
    norm = jnp.sum(dist_recip, axis=2, keepdims=True)
    weight = dist_recip / norm               # [B,N,3]
    interpolated = jnp.sum(index_points(pts2, idx) * weight[:, :, :, None], axis=2)  # [B,N,D]
    pts1 = jnp.transpose(points1, (0, 2, 1)) # [B,N,D]
    new_points = jnp.concatenate([pts1, interpolated], axis=1)  # [B,2N,D]
    # Conv1d(k=1) -> einsum over channel dim
    x = jnp.einsum('bcl,oc->bol', new_points, W1) + b1[None, :, None]
    x = jax.nn.relu(batchnorm1d(x, g1, be1))
    x = jnp.einsum('bcl,oc->bol', x, W2) + b2[None, :, None]
    x = jax.nn.relu(batchnorm1d(x, g2, be2))
    return x

if __name__ == "__main__":
    import jax
    _d = setup_inputs()
    print(jax.jit(kernel)(*tuple(_d.values())))

</pallas_src>

<mosaic_0001>
#map = affine_map<(d0, d1) -> (0, 0)>
#map1 = affine_map<(d0, d1) -> (0)>
module attributes {stable_mosaic.version = 14 : i64} {
  func.func @sc_gather(%arg0: i32, %arg1: i32, %arg2: memref<4096x128xf32, #tpu.memory_space<hbm>>, %arg3: memref<49152xi32, #tpu.memory_space<hbm>>, %arg4: memref<49152x128xf32, #tpu.memory_space<hbm>>, %arg5: memref<384xi32, #tpu.memory_space<vmem>>, %arg6: memref<384xi32, #tpu.memory_space<vmem>>, %arg7: memref<384x128xf32, #tpu.memory_space<vmem>>, %arg8: memref<384x128xf32, #tpu.memory_space<vmem>>, %arg9: memref<!tpu.dma_semaphore, #tpu.memory_space<semaphore_mem>>, %arg10: memref<!tpu.dma_semaphore, #tpu.memory_space<semaphore_mem>>) attributes {dimension_semantics = [#tpu.dimension_semantics<core_parallel>, #tpu.dimension_semantics<subcore_parallel>], iteration_bounds = array<i64: 2, 16>, scalar_prefetch = 0 : i64, scratch_operands = 6 : i64, tpu.core_type = #tpu.core_type<sc_vector_subcore>, window_params = [{transform_indices = #map}, {transform_indices = #map1}, {transform_indices = #map}]} {
    %mul3A = arith.constant 2 : i32
    %mul3A_0 = arith.muli %arg1, %mul3A : i32
    %add3A = arith.addi %mul3A_0, %arg0 : i32
    %mul3A_1 = arith.constant 1536 : i32
    %mul3A_2 = arith.muli %add3A, %mul3A_1 : i32
    "tpu.region"() ({
      %run_scoped3A = tpu.sem_alloc : memref<!tpu.dma_semaphore, #tpu.memory_space<semaphore_mem>>
      %dma_start3A_53 = tpu.memref_slice %arg3[%mul3A_2] : memref<49152xi32, #tpu.memory_space<hbm>> -> memref<384xi32, #tpu.memory_space<hbm>>
      %dma_start3A_54 = tpu.memref_slice %arg3[%mul3A_2] : memref<49152xi32, #tpu.memory_space<hbm>> -> memref<384xi32, #tpu.memory_space<hbm>>
      tpu.enqueue_dma source(%dma_start3A_54 : memref<384xi32, #tpu.memory_space<hbm>>) target(%arg5 : memref<384xi32, #tpu.memory_space<vmem>>) target_semaphore(%run_scoped3A : memref<!tpu.dma_semaphore, #tpu.memory_space<semaphore_mem>>)
      %dma_wait3A_55 = tpu.memref_slice %arg3[%mul3A_2] : memref<49152xi32, #tpu.memory_space<hbm>> -> memref<384xi32, #tpu.memory_space<hbm>>
      %dma_wait3A_56 = tpu.memref_slice %arg3[%mul3A_2] : memref<49152xi32, #tpu.memory_space<hbm>> -> memref<384xi32, #tpu.memory_space<hbm>>
      tpu.wait_dma2 semaphore(%run_scoped3A : memref<!tpu.dma_semaphore, #tpu.memory_space<semaphore_mem>>) src(%dma_wait3A_56 : memref<384xi32, #tpu.memory_space<hbm>>) dst(%arg5 : memref<384xi32, #tpu.memory_space<vmem>>)
      tpu.yield
    }) : () -> ()
    %dma_start3A = arith.constant 0 : i32
    %dma_start3A_3 = arith.constant 0 : i32
    %dma_start3A_4 = tpu.memref_slice %arg2[%dma_start3A, %dma_start3A_3] : memref<4096x128xf32, #tpu.memory_space<hbm>> -> memref<4096x128xf32, #tpu.memory_space<hbm>>
    tpu.enqueue_indirect_dma source(%dma_start3A_4 : memref<4096x128xf32, #tpu.memory_space<hbm>>) target(%arg7 : memref<384x128xf32, #tpu.memory_space<vmem>>) offsets(%arg5 : memref<384xi32, #tpu.memory_space<vmem>>) semaphore(%arg9 : memref<!tpu.dma_semaphore, #tpu.memory_space<semaphore_mem>>)
    %mul3A_5 = arith.constant 1536 : i32
    %mul3A_6 = arith.muli %add3A, %mul3A_5 : i32
    %add3A_7 = arith.constant 384 : i32
    %add3A_8 = arith.addi %mul3A_6, %add3A_7 : i32
    "tpu.region"() ({
      %run_scoped3A = tpu.sem_alloc : memref<!tpu.dma_semaphore, #tpu.memory_space<semaphore_mem>>
      %dma_start3A_53 = tpu.memref_slice %arg3[%add3A_8] : memref<49152xi32, #tpu.memory_space<hbm>> -> memref<384xi32, #tpu.memory_space<hbm>>
      %dma_start3A_54 = tpu.memref_slice %arg3[%add3A_8] : memref<49152xi32, #tpu.memory_space<hbm>> -> memref<384xi32, #tpu.memory_space<hbm>>
      tpu.enqueue_dma source(%dma_start3A_54 : memref<384xi32, #tpu.memory_space<hbm>>) target(%arg6 : memref<384xi32, #tpu.memory_space<vmem>>) target_semaphore(%run_scoped3A : memref<!tpu.dma_semaphore, #tpu.memory_space<semaphore_mem>>)
      %dma_wait3A_55 = tpu.memref_slice %arg3[%add3A_8] : memref<49152xi32, #tpu.memory_space<hbm>> -> memref<384xi32, #tpu.memory_space<hbm>>
      %dma_wait3A_56 = tpu.memref_slice %arg3[%add3A_8] : memref<49152xi32, #tpu.memory_space<hbm>> -> memref<384xi32, #tpu.memory_space<hbm>>
      tpu.wait_dma2 semaphore(%run_scoped3A : memref<!tpu.dma_semaphore, #tpu.memory_space<semaphore_mem>>) src(%dma_wait3A_56 : memref<384xi32, #tpu.memory_space<hbm>>) dst(%arg6 : memref<384xi32, #tpu.memory_space<vmem>>)
      tpu.yield
    }) : () -> ()
    %dma_start3A_9 = arith.constant 0 : i32
    %dma_start3A_10 = arith.constant 0 : i32
    %dma_start3A_11 = tpu.memref_slice %arg2[%dma_start3A_9, %dma_start3A_10] : memref<4096x128xf32, #tpu.memory_space<hbm>> -> memref<4096x128xf32, #tpu.memory_space<hbm>>
    tpu.enqueue_indirect_dma source(%dma_start3A_11 : memref<4096x128xf32, #tpu.memory_space<hbm>>) target(%arg8 : memref<384x128xf32, #tpu.memory_space<vmem>>) offsets(%arg6 : memref<384xi32, #tpu.memory_space<vmem>>) semaphore(%arg10 : memref<!tpu.dma_semaphore, #tpu.memory_space<semaphore_mem>>)
    %dma_wait3A = arith.constant 0 : i32
    %dma_wait3A_12 = arith.constant 0 : i32
    %dma_wait3A_13 = tpu.memref_slice %arg2[%dma_wait3A, %dma_wait3A_12] : memref<4096x128xf32, #tpu.memory_space<hbm>> -> memref<4096x128xf32, #tpu.memory_space<hbm>>
    tpu.wait_indirect_dma semaphore(%arg9 : memref<!tpu.dma_semaphore, #tpu.memory_space<semaphore_mem>>) src(%dma_wait3A_13 : memref<4096x128xf32, #tpu.memory_space<hbm>>) dst(%arg7 : memref<384x128xf32, #tpu.memory_space<vmem>>)
    %mul3A_14 = arith.constant 1536 : i32
    %mul3A_15 = arith.muli %add3A, %mul3A_14 : i32
    %add3A_16 = arith.constant 0 : i32
    %add3A_17 = arith.addi %mul3A_15, %add3A_16 : i32
    "tpu.region"() ({
      %run_scoped3A = tpu.sem_alloc : memref<!tpu.dma_semaphore, #tpu.memory_space<semaphore_mem>>
      %dma_start3A_53 = arith.constant 0 : i32
      %dma_start3A_54 = tpu.memref_slice %arg4[%add3A_17, %dma_start3A_53] : memref<49152x128xf32, #tpu.memory_space<hbm>> -> memref<384x128xf32, #tpu.memory_space<hbm>>
      %dma_start3A_55 = arith.constant 0 : i32
      %dma_start3A_56 = tpu.memref_slice %arg4[%add3A_17, %dma_start3A_55] : memref<49152x128xf32, #tpu.memory_space<hbm>> -> memref<384x128xf32, #tpu.memory_space<hbm>>
      tpu.enqueue_dma source(%arg7 : memref<384x128xf32, #tpu.memory_space<vmem>>) target(%dma_start3A_56 : memref<384x128xf32, #tpu.memory_space<hbm>>) target_semaphore(%run_scoped3A : memref<!tpu.dma_semaphore, #tpu.memory_space<semaphore_mem>>)
      %dma_wait3A_57 = arith.constant 0 : i32
      %dma_wait3A_58 = tpu.memref_slice %arg4[%add3A_17, %dma_wait3A_57] : memref<49152x128xf32, #tpu.memory_space<hbm>> -> memref<384x128xf32, #tpu.memory_space<hbm>>
      %dma_wait3A_59 = arith.constant 0 : i32
      %dma_wait3A_60 = tpu.memref_slice %arg4[%add3A_17, %dma_wait3A_59] : memref<49152x128xf32, #tpu.memory_space<hbm>> -> memref<384x128xf32, #tpu.memory_space<hbm>>
      tpu.wait_dma2 semaphore(%run_scoped3A : memref<!tpu.dma_semaphore, #tpu.memory_space<semaphore_mem>>) src(%arg7 : memref<384x128xf32, #tpu.memory_space<vmem>>) dst(%dma_wait3A_60 : memref<384x128xf32, #tpu.memory_space<hbm>>)
      tpu.yield
    }) : () -> ()
    %mul3A_18 = arith.constant 1536 : i32
    %mul3A_19 = arith.muli %add3A, %mul3A_18 : i32
    %add3A_20 = arith.constant 768 : i32
    %add3A_21 = arith.addi %mul3A_19, %add3A_20 : i32
    "tpu.region"() ({
      %run_scoped3A = tpu.sem_alloc : memref<!tpu.dma_semaphore, #tpu.memory_space<semaphore_mem>>
      %dma_start3A_53 = tpu.memref_slice %arg3[%add3A_21] : memref<49152xi32, #tpu.memory_space<hbm>> -> memref<384xi32, #tpu.memory_space<hbm>>
      %dma_start3A_54 = tpu.memref_slice %arg3[%add3A_21] : memref<49152xi32, #tpu.memory_space<hbm>> -> memref<384xi32, #tpu.memory_space<hbm>>
      tpu.enqueue_dma source(%dma_start3A_54 : memref<384xi32, #tpu.memory_space<hbm>>) target(%arg5 : memref<384xi32, #tpu.memory_space<vmem>>) target_semaphore(%run_scoped3A : memref<!tpu.dma_semaphore, #tpu.memory_space<semaphore_mem>>)
      %dma_wait3A_55 = tpu.memref_slice %arg3[%add3A_21] : memref<49152xi32, #tpu.memory_space<hbm>> -> memref<384xi32, #tpu.memory_space<hbm>>
      %dma_wait3A_56 = tpu.memref_slice %arg3[%add3A_21] : memref<49152xi32, #tpu.memory_space<hbm>> -> memref<384xi32, #tpu.memory_space<hbm>>
      tpu.wait_dma2 semaphore(%run_scoped3A : memref<!tpu.dma_semaphore, #tpu.memory_space<semaphore_mem>>) src(%dma_wait3A_56 : memref<384xi32, #tpu.memory_space<hbm>>) dst(%arg5 : memref<384xi32, #tpu.memory_space<vmem>>)
      tpu.yield
    }) : () -> ()
    %dma_start3A_22 = arith.constant 0 : i32
    %dma_start3A_23 = arith.constant 0 : i32
    %dma_start3A_24 = tpu.memref_slice %arg2[%dma_start3A_22, %dma_start3A_23] : memref<4096x128xf32, #tpu.memory_space<hbm>> -> memref<4096x128xf32, #tpu.memory_space<hbm>>
    tpu.enqueue_indirect_dma source(%dma_start3A_24 : memref<4096x128xf32, #tpu.memory_space<hbm>>) target(%arg7 : memref<384x128xf32, #tpu.memory_space<vmem>>) offsets(%arg5 : memref<384xi32, #tpu.memory_space<vmem>>) semaphore(%arg9 : memref<!tpu.dma_semaphore, #tpu.memory_space<semaphore_mem>>)
    %dma_wait3A_25 = arith.constant 0 : i32
    %dma_wait3A_26 = arith.constant 0 : i32
    %dma_wait3A_27 = tpu.memref_slice %arg2[%dma_wait3A_25, %dma_wait3A_26] : memref<4096x128xf32, #tpu.memory_space<hbm>> -> memref<4096x128xf32, #tpu.memory_space<hbm>>
    tpu.wait_indirect_dma semaphore(%arg10 : memref<!tpu.dma_semaphore, #tpu.memory_space<semaphore_mem>>) src(%dma_wait3A_27 : memref<4096x128xf32, #tpu.memory_space<hbm>>) dst(%arg8 : memref<384x128xf32, #tpu.memory_space<vmem>>)
    %mul3A_28 = arith.constant 1536 : i32
    %mul3A_29 = arith.muli %add3A, %mul3A_28 : i32
    %add3A_30 = arith.constant 384 : i32
    %add3A_31 = arith.addi %mul3A_29, %add3A_30 : i32
    "tpu.region"() ({
      %run_scoped3A = tpu.sem_alloc : memref<!tpu.dma_semaphore, #tpu.memory_space<semaphore_mem>>
      %dma_start3A_53 = arith.constant 0 : i32
      %dma_start3A_54 = tpu.memref_slice %arg4[%add3A_31, %dma_start3A_53] : memref<49152x128xf32, #tpu.memory_space<hbm>> -> memref<384x128xf32, #tpu.memory_space<hbm>>
      %dma_start3A_55 = arith.constant 0 : i32
      %dma_start3A_56 = tpu.memref_slice %arg4[%add3A_31, %dma_start3A_55] : memref<49152x128xf32, #tpu.memory_space<hbm>> -> memref<384x128xf32, #tpu.memory_space<hbm>>
      tpu.enqueue_dma source(%arg8 : memref<384x128xf32, #tpu.memory_space<vmem>>) target(%dma_start3A_56 : memref<384x128xf32, #tpu.memory_space<hbm>>) target_semaphore(%run_scoped3A : memref<!tpu.dma_semaphore, #tpu.memory_space<semaphore_mem>>)
      %dma_wait3A_57 = arith.constant 0 : i32
      %dma_wait3A_58 = tpu.memref_slice %arg4[%add3A_31, %dma_wait3A_57] : memref<49152x128xf32, #tpu.memory_space<hbm>> -> memref<384x128xf32, #tpu.memory_space<hbm>>
      %dma_wait3A_59 = arith.constant 0 : i32
      %dma_wait3A_60 = tpu.memref_slice %arg4[%add3A_31, %dma_wait3A_59] : memref<49152x128xf32, #tpu.memory_space<hbm>> -> memref<384x128xf32, #tpu.memory_space<hbm>>
      tpu.wait_dma2 semaphore(%run_scoped3A : memref<!tpu.dma_semaphore, #tpu.memory_space<semaphore_mem>>) src(%arg8 : memref<384x128xf32, #tpu.memory_space<vmem>>) dst(%dma_wait3A_60 : memref<384x128xf32, #tpu.memory_space<hbm>>)
      tpu.yield
    }) : () -> ()
    %mul3A_32 = arith.constant 1536 : i32
    %mul3A_33 = arith.muli %add3A, %mul3A_32 : i32
    %add3A_34 = arith.constant 1152 : i32
    %add3A_35 = arith.addi %mul3A_33, %add3A_34 : i32
    "tpu.region"() ({
      %run_scoped3A = tpu.sem_alloc : memref<!tpu.dma_semaphore, #tpu.memory_space<semaphore_mem>>
      %dma_start3A_53 = tpu.memref_slice %arg3[%add3A_35] : memref<49152xi32, #tpu.memory_space<hbm>> -> memref<384xi32, #tpu.memory_space<hbm>>
      %dma_start3A_54 = tpu.memref_slice %arg3[%add3A_35] : memref<49152xi32, #tpu.memory_space<hbm>> -> memref<384xi32, #tpu.memory_space<hbm>>
      tpu.enqueue_dma source(%dma_start3A_54 : memref<384xi32, #tpu.memory_space<hbm>>) target(%arg6 : memref<384xi32, #tpu.memory_space<vmem>>) target_semaphore(%run_scoped3A : memref<!tpu.dma_semaphore, #tpu.memory_space<semaphore_mem>>)
      %dma_wait3A_55 = tpu.memref_slice %arg3[%add3A_35] : memref<49152xi32, #tpu.memory_space<hbm>> -> memref<384xi32, #tpu.memory_space<hbm>>
      %dma_wait3A_56 = tpu.memref_slice %arg3[%add3A_35] : memref<49152xi32, #tpu.memory_space<hbm>> -> memref<384xi32, #tpu.memory_space<hbm>>
      tpu.wait_dma2 semaphore(%run_scoped3A : memref<!tpu.dma_semaphore, #tpu.memory_space<semaphore_mem>>) src(%dma_wait3A_56 : memref<384xi32, #tpu.memory_space<hbm>>) dst(%arg6 : memref<384xi32, #tpu.memory_space<vmem>>)
      tpu.yield
    }) : () -> ()
    %dma_start3A_36 = arith.constant 0 : i32
    %dma_start3A_37 = arith.constant 0 : i32
    %dma_start3A_38 = tpu.memref_slice %arg2[%dma_start3A_36, %dma_start3A_37] : memref<4096x128xf32, #tpu.memory_space<hbm>> -> memref<4096x128xf32, #tpu.memory_space<hbm>>
    tpu.enqueue_indirect_dma source(%dma_start3A_38 : memref<4096x128xf32, #tpu.memory_space<hbm>>) target(%arg8 : memref<384x128xf32, #tpu.memory_space<vmem>>) offsets(%arg6 : memref<384xi32, #tpu.memory_space<vmem>>) semaphore(%arg10 : memref<!tpu.dma_semaphore, #tpu.memory_space<semaphore_mem>>)
    %dma_wait3A_39 = arith.constant 0 : i32
    %dma_wait3A_40 = arith.constant 0 : i32
    %dma_wait3A_41 = tpu.memref_slice %arg2[%dma_wait3A_39, %dma_wait3A_40] : memref<4096x128xf32, #tpu.memory_space<hbm>> -> memref<4096x128xf32, #tpu.memory_space<hbm>>
    tpu.wait_indirect_dma semaphore(%arg9 : memref<!tpu.dma_semaphore, #tpu.memory_space<semaphore_mem>>) src(%dma_wait3A_41 : memref<4096x128xf32, #tpu.memory_space<hbm>>) dst(%arg7 : memref<384x128xf32, #tpu.memory_space<vmem>>)
    %mul3A_42 = arith.constant 1536 : i32
    %mul3A_43 = arith.muli %add3A, %mul3A_42 : i32
    %add3A_44 = arith.constant 768 : i32
    %add3A_45 = arith.addi %mul3A_43, %add3A_44 : i32
    "tpu.region"() ({
      %run_scoped3A = tpu.sem_alloc : memref<!tpu.dma_semaphore, #tpu.memory_space<semaphore_mem>>
      %dma_start3A_53 = arith.constant 0 : i32
      %dma_start3A_54 = tpu.memref_slice %arg4[%add3A_45, %dma_start3A_53] : memref<49152x128xf32, #tpu.memory_space<hbm>> -> memref<384x128xf32, #tpu.memory_space<hbm>>
      %dma_start3A_55 = arith.constant 0 : i32
      %dma_start3A_56 = tpu.memref_slice %arg4[%add3A_45, %dma_start3A_55] : memref<49152x128xf32, #tpu.memory_space<hbm>> -> memref<384x128xf32, #tpu.memory_space<hbm>>
      tpu.enqueue_dma source(%arg7 : memref<384x128xf32, #tpu.memory_space<vmem>>) target(%dma_start3A_56 : memref<384x128xf32, #tpu.memory_space<hbm>>) target_semaphore(%run_scoped3A : memref<!tpu.dma_semaphore, #tpu.memory_space<semaphore_mem>>)
      %dma_wait3A_57 = arith.constant 0 : i32
      %dma_wait3A_58 = tpu.memref_slice %arg4[%add3A_45, %dma_wait3A_57] : memref<49152x128xf32, #tpu.memory_space<hbm>> -> memref<384x128xf32, #tpu.memory_space<hbm>>
      %dma_wait3A_59 = arith.constant 0 : i32
      %dma_wait3A_60 = tpu.memref_slice %arg4[%add3A_45, %dma_wait3A_59] : memref<49152x128xf32, #tpu.memory_space<hbm>> -> memref<384x128xf32, #tpu.memory_space<hbm>>
      tpu.wait_dma2 semaphore(%run_scoped3A : memref<!tpu.dma_semaphore, #tpu.memory_space<semaphore_mem>>) src(%arg7 : memref<384x128xf32, #tpu.memory_space<vmem>>) dst(%dma_wait3A_60 : memref<384x128xf32, #tpu.memory_space<hbm>>)
      tpu.yield
    }) : () -> ()
    %dma_wait3A_46 = arith.constant 0 : i32
    %dma_wait3A_47 = arith.constant 0 : i32
    %dma_wait3A_48 = tpu.memref_slice %arg2[%dma_wait3A_46, %dma_wait3A_47] : memref<4096x128xf32, #tpu.memory_space<hbm>> -> memref<4096x128xf32, #tpu.memory_space<hbm>>
    tpu.wait_indirect_dma semaphore(%arg10 : memref<!tpu.dma_semaphore, #tpu.memory_space<semaphore_mem>>) src(%dma_wait3A_48 : memref<4096x128xf32, #tpu.memory_space<hbm>>) dst(%arg8 : memref<384x128xf32, #tpu.memory_space<vmem>>)
    %mul3A_49 = arith.constant 1536 : i32
    %mul3A_50 = arith.muli %add3A, %mul3A_49 : i32
    %add3A_51 = arith.constant 1152 : i32
    %add3A_52 = arith.addi %mul3A_50, %add3A_51 : i32
    "tpu.region"() ({
      %run_scoped3A = tpu.sem_alloc : memref<!tpu.dma_semaphore, #tpu.memory_space<semaphore_mem>>
      %dma_start3A_53 = arith.constant 0 : i32
      %dma_start3A_54 = tpu.memref_slice %arg4[%add3A_52, %dma_start3A_53] : memref<49152x128xf32, #tpu.memory_space<hbm>> -> memref<384x128xf32, #tpu.memory_space<hbm>>
      %dma_start3A_55 = arith.constant 0 : i32
      %dma_start3A_56 = tpu.memref_slice %arg4[%add3A_52, %dma_start3A_55] : memref<49152x128xf32, #tpu.memory_space<hbm>> -> memref<384x128xf32, #tpu.memory_space<hbm>>
      tpu.enqueue_dma source(%arg8 : memref<384x128xf32, #tpu.memory_space<vmem>>) target(%dma_start3A_56 : memref<384x128xf32, #tpu.memory_space<hbm>>) target_semaphore(%run_scoped3A : memref<!tpu.dma_semaphore, #tpu.memory_space<semaphore_mem>>)
      %dma_wait3A_57 = arith.constant 0 : i32
      %dma_wait3A_58 = tpu.memref_slice %arg4[%add3A_52, %dma_wait3A_57] : memref<49152x128xf32, #tpu.memory_space<hbm>> -> memref<384x128xf32, #tpu.memory_space<hbm>>
      %dma_wait3A_59 = arith.constant 0 : i32
      %dma_wait3A_60 = tpu.memref_slice %arg4[%add3A_52, %dma_wait3A_59] : memref<49152x128xf32, #tpu.memory_space<hbm>> -> memref<384x128xf32, #tpu.memory_space<hbm>>
      tpu.wait_dma2 semaphore(%run_scoped3A : memref<!tpu.dma_semaphore, #tpu.memory_space<semaphore_mem>>) src(%arg8 : memref<384x128xf32, #tpu.memory_space<vmem>>) dst(%dma_wait3A_60 : memref<384x128xf32, #tpu.memory_space<hbm>>)
      tpu.yield
    }) : () -> ()
    return
  }
}

module attributes {stable_mosaic.version = 14 : i64} {
  func.func @_knn_select_kernel(%arg0: i32, %arg1: memref<1x2048x3xf32, #tpu.memory_space<vmem>>, %arg2: memref<1x3x512xf32, #tpu.memory_space<vmem>>, %arg3: memref<2048x1x1x3xi32, #tpu.memory_space<vmem>>, %arg4: memref<2048x1x1x4xf32, #tpu.memory_space<vmem>>) attributes {dimension_semantics = [#tpu.dimension_semantics<arbitrary>], iteration_bounds = array<i64: 8>, scalar_prefetch = 0 : i64, scratch_operands = 0 : i64, tpu.core_type = #tpu.core_type<tc>, window_params = [{transform_indices = @transform_0, window_bounds = array<i64: 1, 2048, 3>}, {transform_indices = @transform_1, window_bounds = array<i64: 1, 3, 512>}, {transform_indices = @transform_2, window_bounds = array<i64: 2048, 1, 1, 3>}, {transform_indices = @transform_3, window_bounds = array<i64: 2048, 1, 1, 4>}]} {
    %get3A = arith.constant 0 : index
    %get3A_0 = arith.constant 0 : index
    %get3A_1 = arith.constant 0 : index
    %get3A_2 = vector.load %arg1[%get3A, %get3A_0, %get3A_1] : memref<1x2048x3xf32, #tpu.memory_space<vmem>>, vector<1x2048x3xf32>
    %get3A_3 = vector.shape_cast %get3A_2 : vector<1x2048x3xf32> to vector<2048x3xf32>
    %get3A_4 = arith.constant 0 : index
    %get3A_5 = arith.constant 0 : index
    %get3A_6 = arith.constant 0 : index
    %get3A_7 = vector.load %arg2[%get3A_4, %get3A_5, %get3A_6] : memref<1x3x512xf32, #tpu.memory_space<vmem>>, vector<1x3x512xf32>
    %get3A_8 = vector.shape_cast %get3A_7 : vector<1x3x512xf32> to vector<3x512xf32>
    %dot_general3A = arith.constant dense<0.000000e+00> : vector<2048x512xf32>
    %dot_general3A_9 = tpu.matmul %get3A_3, %get3A_8, %dot_general3A {dimension_numbers = #tpu.dot_dimension_numbers<[1], [0], [0], [1], [0, 0, 1, 1], [], []>, transpose_lhs_hint = false} : vector<2048x3xf32>, vector<3x512xf32>, vector<2048x512xf32> -> vector<2048x512xf32>
    %slice3A = vector.extract_strided_slice %get3A_3 {offsets = [0, 0], sizes = [2048, 1], strides = [1, 1]} : vector<2048x3xf32> to vector<2048x1xf32>
    %slice3A_10 = vector.extract_strided_slice %get3A_3 {offsets = [0, 0], sizes = [2048, 1], strides = [1, 1]} : vector<2048x3xf32> to vector<2048x1xf32>
    %mul3A = arith.mulf %slice3A, %slice3A_10 : vector<2048x1xf32>
    %slice3A_11 = vector.extract_strided_slice %get3A_3 {offsets = [0, 1], sizes = [2048, 1], strides = [1, 1]} : vector<2048x3xf32> to vector<2048x1xf32>
    %slice3A_12 = vector.extract_strided_slice %get3A_3 {offsets = [0, 1], sizes = [2048, 1], strides = [1, 1]} : vector<2048x3xf32> to vector<2048x1xf32>
    %mul3A_13 = arith.mulf %slice3A_11, %slice3A_12 : vector<2048x1xf32>
    %add3A = arith.addf %mul3A, %mul3A_13 : vector<2048x1xf32>
    %slice3A_14 = vector.extract_strided_slice %get3A_3 {offsets = [0, 2], sizes = [2048, 1], strides = [1, 1]} : vector<2048x3xf32> to vector<2048x1xf32>
    %slice3A_15 = vector.extract_strided_slice %get3A_3 {offsets = [0, 2], sizes = [2048, 1], strides = [1, 1]} : vector<2048x3xf32> to vector<2048x1xf32>
    %mul3A_16 = arith.mulf %slice3A_14, %slice3A_15 : vector<2048x1xf32>
    %add3A_17 = arith.addf %add3A, %mul3A_16 : vector<2048x1xf32>
    %slice3A_18 = vector.extract_strided_slice %get3A_8 {offsets = [0, 0], sizes = [1, 512], strides = [1, 1]} : vector<3x512xf32> to vector<1x512xf32>
    %slice3A_19 = vector.extract_strided_slice %get3A_8 {offsets = [0, 0], sizes = [1, 512], strides = [1, 1]} : vector<3x512xf32> to vector<1x512xf32>
    %mul3A_20 = arith.mulf %slice3A_18, %slice3A_19 : vector<1x512xf32>
    %slice3A_21 = vector.extract_strided_slice %get3A_8 {offsets = [1, 0], sizes = [1, 512], strides = [1, 1]} : vector<3x512xf32> to vector<1x512xf32>
    %slice3A_22 = vector.extract_strided_slice %get3A_8 {offsets = [1, 0], sizes = [1, 512], strides = [1, 1]} : vector<3x512xf32> to vector<1x512xf32>
    %mul3A_23 = arith.mulf %slice3A_21, %slice3A_22 : vector<1x512xf32>
    %add3A_24 = arith.addf %mul3A_20, %mul3A_23 : vector<1x512xf32>
    %slice3A_25 = vector.extract_strided_slice %get3A_8 {offsets = [2, 0], sizes = [1, 512], strides = [1, 1]} : vector<3x512xf32> to vector<1x512xf32>
    %slice3A_26 = vector.extract_strided_slice %get3A_8 {offsets = [2, 0], sizes = [1, 512], strides = [1, 1]} : vector<3x512xf32> to vector<1x512xf32>
    %mul3A_27 = arith.mulf %slice3A_25, %slice3A_26 : vector<1x512xf32>
    %add3A_28 = arith.addf %add3A_24, %mul3A_27 : vector<1x512xf32>
    %mul3A_29 = arith.constant -2.000000e+00 : f32
    %mul3A_30 = vector.broadcast %mul3A_29 : f32 to vector<2048x512xf32>
    %mul3A_31 = arith.mulf %mul3A_30, %dot_general3A_9 : vector<2048x512xf32>
    %add3A_32 = vector.broadcast %add3A_17 : vector<2048x1xf32> to vector<2048x512xf32>
    %add3A_33 = arith.addf %mul3A_31, %add3A_32 : vector<2048x512xf32>
    %add3A_34 = vector.broadcast %add3A_28 : vector<1x512xf32> to vector<2048x512xf32>
    %add3A_35 = arith.addf %add3A_33, %add3A_34 : vector<2048x512xf32>
    %iota3A = tpu.iota {dimensions = array<i32: 1>} : vector<2048x512xi32>
    %reduce_min3A = arith.constant dense<0x7F800000> : vector<2048xf32>
    %reduce_min3A_36 = vector.multi_reduction <minimumf>, %add3A_35, %reduce_min3A [1] : vector<2048x512xf32> to vector<2048xf32>
    %broadcast_in_dim3A = vector.shape_cast %reduce_min3A_36 : vector<2048xf32> to vector<2048x1xf32>
    %eq3A = vector.broadcast %broadcast_in_dim3A : vector<2048x1xf32> to vector<2048x512xf32>
    %eq3A_37 = arith.cmpf oeq, %add3A_35, %eq3A : vector<2048x512xf32>
    %jit3A = arith.constant 512 : i32
    %broadcast_in_dim3A_38 = vector.broadcast %jit3A : i32 to vector<2048x512xi32>
    %select_n3A = arith.select %eq3A_37, %iota3A, %broadcast_in_dim3A_38 : vector<2048x512xi1>, vector<2048x512xi32>
    %reduce_min3A_39 = arith.constant dense<2147483647> : vector<2048xi32>
    %reduce_min3A_40 = vector.multi_reduction <minsi>, %select_n3A, %reduce_min3A_39 [1] : vector<2048x512xi32> to vector<2048xi32>
    %broadcast_in_dim3A_41 = vector.shape_cast %reduce_min3A_40 : vector<2048xi32> to vector<2048x1xi32>
    %eq3A_42 = vector.broadcast %broadcast_in_dim3A_41 : vector<2048x1xi32> to vector<2048x512xi32>
    %eq3A_43 = arith.cmpi eq, %select_n3A, %eq3A_42 : vector<2048x512xi32>
    %jit3A_44 = arith.constant 0x7F800000 : f32
    %broadcast_in_dim3A_45 = vector.broadcast %jit3A_44 : f32 to vector<2048x512xf32>
    %select_n3A_46 = arith.select %eq3A_43, %broadcast_in_dim3A_45, %add3A_35 : vector<2048x512xi1>, vector<2048x512xf32>
    %reduce_min3A_47 = arith.constant dense<0x7F800000> : vector<2048xf32>
    %reduce_min3A_48 = vector.multi_reduction <minimumf>, %select_n3A_46, %reduce_min3A_47 [1] : vector<2048x512xf32> to vector<2048xf32>
    %broadcast_in_dim3A_49 = vector.shape_cast %reduce_min3A_48 : vector<2048xf32> to vector<2048x1xf32>
    %eq3A_50 = vector.broadcast %broadcast_in_dim3A_49 : vector<2048x1xf32> to vector<2048x512xf32>
    %eq3A_51 = arith.cmpf oeq, %select_n3A_46, %eq3A_50 : vector<2048x512xf32>
    %jit3A_52 = arith.constant 512 : i32
    %broadcast_in_dim3A_53 = vector.broadcast %jit3A_52 : i32 to vector<2048x512xi32>
    %select_n3A_54 = arith.select %eq3A_51, %iota3A, %broadcast_in_dim3A_53 : vector<2048x512xi1>, vector<2048x512xi32>
    %reduce_min3A_55 = arith.constant dense<2147483647> : vector<2048xi32>
    %reduce_min3A_56 = vector.multi_reduction <minsi>, %select_n3A_54, %reduce_min3A_55 [1] : vector<2048x512xi32> to vector<2048xi32>
    %broadcast_in_dim3A_57 = vector.shape_cast %reduce_min3A_56 : vector<2048xi32> to vector<2048x1xi32>
    %eq3A_58 = vector.broadcast %broadcast_in_dim3A_57 : vector<2048x1xi32> to vector<2048x512xi32>
    %eq3A_59 = arith.cmpi eq, %select_n3A_54, %eq3A_58 : vector<2048x512xi32>
    %jit3A_60 = arith.constant 0x7F800000 : f32
    %broadcast_in_dim3A_61 = vector.broadcast %jit3A_60 : f32 to vector<2048x512xf32>
    %select_n3A_62 = arith.select %eq3A_59, %broadcast_in_dim3A_61, %select_n3A_46 : vector<2048x512xi1>, vector<2048x512xf32>
    %reduce_min3A_63 = arith.constant dense<0x7F800000> : vector<2048xf32>
    %reduce_min3A_64 = vector.multi_reduction <minimumf>, %select_n3A_62, %reduce_min3A_63 [1] : vector<2048x512xf32> to vector<2048xf32>
    %broadcast_in_dim3A_65 = vector.shape_cast %reduce_min3A_64 : vector<2048xf32> to vector<2048x1xf32>
    %eq3A_66 = vector.broadcast %broadcast_in_dim3A_65 : vector<2048x1xf32> to vector<2048x512xf32>
    %eq3A_67 = arith.cmpf oeq, %select_n3A_62, %eq3A_66 : vector<2048x512xf32>
    %jit3A_68 = arith.constant 512 : i32
    %broadcast_in_dim3A_69 = vector.broadcast %jit3A_68 : i32 to vector<2048x512xi32>
    %select_n3A_70 = arith.select %eq3A_67, %iota3A, %broadcast_in_dim3A_69 : vector<2048x512xi1>, vector<2048x512xi32>
    %reduce_min3A_71 = arith.constant dense<2147483647> : vector<2048xi32>
    %reduce_min3A_72 = vector.multi_reduction <minsi>, %select_n3A_70, %reduce_min3A_71 [1] : vector<2048x512xi32> to vector<2048xi32>
    %broadcast_in_dim3A_73 = vector.shape_cast %reduce_min3A_72 : vector<2048xi32> to vector<2048x1xi32>
    %add3A_74 = arith.constant 9.99999993E-9 : f32
    %add3A_75 = vector.broadcast %add3A_74 : f32 to vector<2048x1xf32>
    %add3A_76 = arith.addf %broadcast_in_dim3A, %add3A_75 : vector<2048x1xf32>
    %div3A = arith.constant 1.000000e+00 : f32
    %div3A_77 = vector.broadcast %div3A : f32 to vector<2048x1xf32>
    %div3A_78 = arith.divf %div3A_77, %add3A_76 : vector<2048x1xf32>
    %add3A_79 = arith.constant 9.99999993E-9 : f32
    %add3A_80 = vector.broadcast %add3A_79 : f32 to vector<2048x1xf32>
    %add3A_81 = arith.addf %broadcast_in_dim3A_49, %add3A_80 : vector<2048x1xf32>
    %div3A_82 = arith.constant 1.000000e+00 : f32
    %div3A_83 = vector.broadcast %div3A_82 : f32 to vector<2048x1xf32>
    %div3A_84 = arith.divf %div3A_83, %add3A_81 : vector<2048x1xf32>
    %add3A_85 = arith.constant 9.99999993E-9 : f32
    %add3A_86 = vector.broadcast %add3A_85 : f32 to vector<2048x1xf32>
    %add3A_87 = arith.addf %broadcast_in_dim3A_65, %add3A_86 : vector<2048x1xf32>
    %div3A_88 = arith.constant 1.000000e+00 : f32
    %div3A_89 = vector.broadcast %div3A_88 : f32 to vector<2048x1xf32>
    %div3A_90 = arith.divf %div3A_89, %add3A_87 : vector<2048x1xf32>
    %add3A_91 = arith.addf %div3A_78, %div3A_84 : vector<2048x1xf32>
    %add3A_92 = arith.addf %add3A_91, %div3A_90 : vector<2048x1xf32>
    %mul3A_93 = arith.constant 512 : i32
    %mul3A_94 = arith.muli %arg0, %mul3A_93 : i32
    %add3A_95 = vector.broadcast %mul3A_94 : i32 to vector<2048x1xi32>
    %add3A_96 = arith.addi %broadcast_in_dim3A_41, %add3A_95 : vector<2048x1xi32>
    %swap3A = arith.constant 0 : index
    %swap3A_97 = arith.constant 0 : index
    %swap3A_98 = arith.constant 0 : index
    %swap3A_99 = arith.constant 0 : index
    %swap3A_100 = vector.load %arg3[%swap3A, %swap3A_97, %swap3A_98, %swap3A_99] : memref<2048x1x1x3xi32, #tpu.memory_space<vmem>>, vector<2048x1x1x1xi32>
    %swap3A_101 = vector.shape_cast %swap3A_100 : vector<2048x1x1x1xi32> to vector<2048x1xi32>
    %swap3A_102 = vector.shape_cast %add3A_96 : vector<2048x1xi32> to vector<2048x1x1x1xi32>
    tpu.vector_store %arg3[%swap3A, %swap3A_97, %swap3A_98, %swap3A_99], %swap3A_102 {strides = array<i32>} : memref<2048x1x1x3xi32, #tpu.memory_space<vmem>>, vector<2048x1x1x1xi32>,
    %div3A_103 = arith.divf %div3A_78, %add3A_92 : vector<2048x1xf32>
    %swap3A_104 = arith.constant 0 : index
    %swap3A_105 = arith.constant 0 : index
    %swap3A_106 = arith.constant 0 : index
    %swap3A_107 = arith.constant 0 : index
    %swap3A_108 = vector.load %arg4[%swap3A_104, %swap3A_105, %swap3A_106, %swap3A_107] : memref<2048x1x1x4xf32, #tpu.memory_space<vmem>>, vector<2048x1x1x1xf32>
    %swap3A_109 = vector.shape_cast %swap3A_108 : vector<2048x1x1x1xf32> to vector<2048x1xf32>
    %swap3A_110 = vector.shape_cast %div3A_103 : vector<2048x1xf32> to vector<2048x1x1x1xf32>
    tpu.vector_store %arg4[%swap3A_104, %swap3A_105, %swap3A_106, %swap3A_107], %swap3A_110 {strides = array<i32>} : memref<2048x1x1x4xf32, #tpu.memory_space<vmem>>, vector<2048x1x1x1xf32>,
    %mul3A_111 = arith.constant 512 : i32
    %mul3A_112 = arith.muli %arg0, %mul3A_111 : i32
    %add3A_113 = vector.broadcast %mul3A_112 : i32 to vector<2048x1xi32>
    %add3A_114 = arith.addi %broadcast_in_dim3A_57, %add3A_113 : vector<2048x1xi32>
    %swap3A_115 = arith.constant 0 : index
    %swap3A_116 = arith.constant 0 : index
    %swap3A_117 = arith.constant 0 : index
    %swap3A_118 = arith.constant 1 : index
    %swap3A_119 = vector.load %arg3[%swap3A_115, %swap3A_116, %swap3A_117, %swap3A_118] : memref<2048x1x1x3xi32, #tpu.memory_space<vmem>>, vector<2048x1x1x1xi32>
    %swap3A_120 = vector.shape_cast %swap3A_119 : vector<2048x1x1x1xi32> to vector<2048x1xi32>
    %swap3A_121 = vector.shape_cast %add3A_114 : vector<2048x1xi32> to vector<2048x1x1x1xi32>
    tpu.vector_store %arg3[%swap3A_115, %swap3A_116, %swap3A_117, %swap3A_118], %swap3A_121 {strides = array<i32>} : memref<2048x1x1x3xi32, #tpu.memory_space<vmem>>, vector<2048x1x1x1xi32>,
    %div3A_122 = arith.divf %div3A_84, %add3A_92 : vector<2048x1xf32>
    %swap3A_123 = arith.constant 0 : index
    %swap3A_124 = arith.constant 0 : index
    %swap3A_125 = arith.constant 0 : index
    %swap3A_126 = arith.constant 1 : index
    %swap3A_127 = vector.load %arg4[%swap3A_123, %swap3A_124, %swap3A_125, %swap3A_126] : memref<2048x1x1x4xf32, #tpu.memory_space<vmem>>, vector<2048x1x1x1xf32>
    %swap3A_128 = vector.shape_cast %swap3A_127 : vector<2048x1x1x1xf32> to vector<2048x1xf32>
    %swap3A_129 = vector.shape_cast %div3A_122 : vector<2048x1xf32> to vector<2048x1x1x1xf32>
    tpu.vector_store %arg4[%swap3A_123, %swap3A_124, %swap3A_125, %swap3A_126], %swap3A_129 {strides = array<i32>} : memref<2048x1x1x4xf32, #tpu.memory_space<vmem>>, vector<2048x1x1x1xf32>,
    %mul3A_130 = arith.constant 512 : i32
    %mul3A_131 = arith.muli %arg0, %mul3A_130 : i32
    %add3A_132 = vector.broadcast %mul3A_131 : i32 to vector<2048x1xi32>
    %add3A_133 = arith.addi %broadcast_in_dim3A_73, %add3A_132 : vector<2048x1xi32>
    %swap3A_134 = arith.constant 0 : index
    %swap3A_135 = arith.constant 0 : index
    %swap3A_136 = arith.constant 0 : index
    %swap3A_137 = arith.constant 2 : index
    %swap3A_138 = vector.load %arg3[%swap3A_134, %swap3A_135, %swap3A_136, %swap3A_137] : memref<2048x1x1x3xi32, #tpu.memory_space<vmem>>, vector<2048x1x1x1xi32>
    %swap3A_139 = vector.shape_cast %swap3A_138 : vector<2048x1x1x1xi32> to vector<2048x1xi32>
    %swap3A_140 = vector.shape_cast %add3A_133 : vector<2048x1xi32> to vector<2048x1x1x1xi32>
    tpu.vector_store %arg3[%swap3A_134, %swap3A_135, %swap3A_136, %swap3A_137], %swap3A_140 {strides = array<i32>} : memref<2048x1x1x3xi32, #tpu.memory_space<vmem>>, vector<2048x1x1x1xi32>,
    %div3A_141 = arith.divf %div3A_90, %add3A_92 : vector<2048x1xf32>
    %swap3A_142 = arith.constant 0 : index
    %swap3A_143 = arith.constant 0 : index
    %swap3A_144 = arith.constant 0 : index
    %swap3A_145 = arith.constant 2 : index
    %swap3A_146 = vector.load %arg4[%swap3A_142, %swap3A_143, %swap3A_144, %swap3A_145] : memref<2048x1x1x4xf32, #tpu.memory_space<vmem>>, vector<2048x1x1x1xf32>
    %swap3A_147 = vector.shape_cast %swap3A_146 : vector<2048x1x1x1xf32> to vector<2048x1xf32>
    %swap3A_148 = vector.shape_cast %div3A_141 : vector<2048x1xf32> to vector<2048x1x1x1xf32>
    tpu.vector_store %arg4[%swap3A_142, %swap3A_143, %swap3A_144, %swap3A_145], %swap3A_148 {strides = array<i32>} : memref<2048x1x1x4xf32, #tpu.memory_space<vmem>>, vector<2048x1x1x1xf32>,
    %broadcast_in_dim3A_149 = arith.constant 0.000000e+00 : f32
    %broadcast_in_dim3A_150 = vector.broadcast %broadcast_in_dim3A_149 : f32 to vector<2048x1xf32>
    %swap3A_151 = arith.constant 0 : index
    %swap3A_152 = arith.constant 0 : index
    %swap3A_153 = arith.constant 0 : index
    %swap3A_154 = arith.constant 3 : index
    %swap3A_155 = vector.load %arg4[%swap3A_151, %swap3A_152, %swap3A_153, %swap3A_154] : memref<2048x1x1x4xf32, #tpu.memory_space<vmem>>, vector<2048x1x1x1xf32>
    %swap3A_156 = vector.shape_cast %swap3A_155 : vector<2048x1x1x1xf32> to vector<2048x1xf32>
    %swap3A_157 = vector.shape_cast %broadcast_in_dim3A_150 : vector<2048x1xf32> to vector<2048x1x1x1xf32>
    tpu.vector_store %arg4[%swap3A_151, %swap3A_152, %swap3A_153, %swap3A_154], %swap3A_157 {strides = array<i32>} : memref<2048x1x1x4xf32, #tpu.memory_space<vmem>>, vector<2048x1x1x1xf32>,
    return
  }
  func.func @transform_0(%arg0: i32) -> (i32, i32, i32) {
    %c0_i32 = arith.constant 0 : i32
    %c0_i32_0 = arith.constant 0 : i32
    %c0_i32_1 = arith.constant 0 : i32
    return %arg0, %c0_i32, %c0_i32_0 : i32, i32, i32
  }
  func.func @transform_1(%arg0: i32) -> (i32, i32, i32) {
    %c0_i32 = arith.constant 0 : i32
    %c0_i32_0 = arith.constant 0 : i32
    %c0_i32_1 = arith.constant 0 : i32
    return %arg0, %c0_i32, %c0_i32_0 : i32, i32, i32
  }
  func.func @transform_2(%arg0: i32) -> (i32, i32, i32, i32) {
    %c0_i32 = arith.constant 0 : i32
    %c0_i32_0 = arith.constant 0 : i32
    %c0_i32_1 = arith.constant 0 : i32
    %c0_i32_2 = arith.constant 0 : i32
    return %c0_i32, %arg0, %c0_i32_0, %c0_i32_1 : i32, i32, i32, i32
  }
  func.func @transform_3(%arg0: i32) -> (i32, i32, i32, i32) {
    %c0_i32 = arith.constant 0 : i32
    %c0_i32_0 = arith.constant 0 : i32
    %c0_i32_1 = arith.constant 0 : i32
    %c0_i32_2 = arith.constant 0 : i32
    return %c0_i32, %arg0, %c0_i32_0, %c0_i32_1 : i32, i32, i32, i32
  }
}

module attributes {stable_mosaic.version = 14 : i64} {
  func.func @_mm_kernel(%arg0: i32, %arg1: memref<256x2048xf32, #tpu.memory_space<vmem>>, %arg2: memref<1024x2048xf32, #tpu.memory_space<vmem>>, %arg3: memref<256x1024xf32, #tpu.memory_space<vmem>>) attributes {dimension_semantics = [#tpu.dimension_semantics<arbitrary>], iteration_bounds = array<i64: 4>, scalar_prefetch = 0 : i64, scratch_operands = 0 : i64, tpu.core_type = #tpu.core_type<tc>, window_params = [{transform_indices = @transform_0, window_bounds = array<i64: 256, 2048>}, {pipeline_mode = #tpu.pipeline_mode<synchronous>, transform_indices = @transform_1, window_bounds = array<i64: 1024, 2048>}, {transform_indices = @transform_2, window_bounds = array<i64: 256, 1024>}]} {
    %get3A = arith.constant 0 : index
    %get3A_0 = arith.constant 0 : index
    %get3A_1 = vector.load %arg1[%get3A, %get3A_0] : memref<256x2048xf32, #tpu.memory_space<vmem>>, vector<256x2048xf32>
    %get3A_2 = arith.constant 0 : index
    %get3A_3 = arith.constant 0 : index
    %get3A_4 = vector.load %arg2[%get3A_2, %get3A_3] : memref<1024x2048xf32, #tpu.memory_space<vmem>>, vector<1024x2048xf32>
    %dot_general3A = arith.constant dense<0.000000e+00> : vector<256x1024xf32>
    %dot_general3A_5 = tpu.matmul %get3A_1, %get3A_4, %dot_general3A {dimension_numbers = #tpu.dot_dimension_numbers<[1], [1], [0], [0], [0, 0, 1, 0], [], []>, transpose_lhs_hint = false} : vector<256x2048xf32>, vector<1024x2048xf32>, vector<256x1024xf32> -> vector<256x1024xf32>
    %swap3A = arith.constant 0 : index
    %swap3A_6 = arith.constant 0 : index
    %swap3A_7 = vector.load %arg3[%swap3A, %swap3A_6] : memref<256x1024xf32, #tpu.memory_space<vmem>>, vector<256x1024xf32>
    tpu.vector_store %arg3[%swap3A, %swap3A_6], %dot_general3A_5 {strides = array<i32>} : memref<256x1024xf32, #tpu.memory_space<vmem>>, vector<256x1024xf32>,
    return
  }
  func.func @transform_0(%arg0: i32) -> (i32, i32) {
    %c0_i32 = arith.constant 0 : i32
    %c0_i32_0 = arith.constant 0 : i32
    return %arg0, %c0_i32 : i32, i32
  }
  func.func @transform_1(%arg0: i32) -> (i32, i32) {
    %c0_i32 = arith.constant 0 : i32
    %c0_i32_0 = arith.constant 0 : i32
    %c0_i32_1 = arith.constant 0 : i32
    return %c0_i32, %c0_i32_0 : i32, i32
  }
  func.func @transform_2(%arg0: i32) -> (i32, i32) {
    %c0_i32 = arith.constant 0 : i32
    %c0_i32_0 = arith.constant 0 : i32
    return %arg0, %c0_i32 : i32, i32
  }
}

module attributes {stable_mosaic.version = 14 : i64} {
  func.func @_wsum_kernel(%arg0: i32, %arg1: memref<2048x384xf32, #tpu.memory_space<vmem>>, %arg2: memref<2048x4xf32, #tpu.memory_space<vmem>>, %arg3: memref<2048x128xf32, #tpu.memory_space<vmem>>) attributes {dimension_semantics = [#tpu.dimension_semantics<arbitrary>], iteration_bounds = array<i64: 8>, scalar_prefetch = 0 : i64, scratch_operands = 0 : i64, tpu.core_type = #tpu.core_type<tc>, window_params = [{transform_indices = @transform_0, window_bounds = array<i64: 2048, 384>}, {transform_indices = @transform_1, window_bounds = array<i64: 2048, 4>}, {transform_indices = @transform_2, window_bounds = array<i64: 2048, 128>}]} {
    %get3A = arith.constant 0 : index
    %get3A_0 = arith.constant 0 : index
    %get3A_1 = vector.load %arg2[%get3A, %get3A_0] : memref<2048x4xf32, #tpu.memory_space<vmem>>, vector<2048x1xf32>
    %get3A_2 = arith.constant 0 : index
    %get3A_3 = arith.constant 0 : index
    %get3A_4 = vector.load %arg1[%get3A_2, %get3A_3] : memref<2048x384xf32, #tpu.memory_space<vmem>>, vector<2048x128xf32>
    %mul3A = vector.broadcast %get3A_1 : vector<2048x1xf32> to vector<2048x128xf32>
    %mul3A_5 = arith.mulf %mul3A, %get3A_4 : vector<2048x128xf32>
    %get3A_6 = arith.constant 0 : index
    %get3A_7 = arith.constant 1 : index
    %get3A_8 = vector.load %arg2[%get3A_6, %get3A_7] : memref<2048x4xf32, #tpu.memory_space<vmem>>, vector<2048x1xf32>
    %get3A_9 = arith.constant 0 : index
    %get3A_10 = arith.constant 128 : index
    %get3A_11 = vector.load %arg1[%get3A_9, %get3A_10] : memref<2048x384xf32, #tpu.memory_space<vmem>>, vector<2048x128xf32>
    %mul3A_12 = vector.broadcast %get3A_8 : vector<2048x1xf32> to vector<2048x128xf32>
    %mul3A_13 = arith.mulf %mul3A_12, %get3A_11 : vector<2048x128xf32>
    %add3A = arith.addf %mul3A_5, %mul3A_13 : vector<2048x128xf32>
    %get3A_14 = arith.constant 0 : index
    %get3A_15 = arith.constant 2 : index
    %get3A_16 = vector.load %arg2[%get3A_14, %get3A_15] : memref<2048x4xf32, #tpu.memory_space<vmem>>, vector<2048x1xf32>
    %get3A_17 = arith.constant 0 : index
    %get3A_18 = arith.constant 256 : index
    %get3A_19 = vector.load %arg1[%get3A_17, %get3A_18] : memref<2048x384xf32, #tpu.memory_space<vmem>>, vector<2048x128xf32>
    %mul3A_20 = vector.broadcast %get3A_16 : vector<2048x1xf32> to vector<2048x128xf32>
    %mul3A_21 = arith.mulf %mul3A_20, %get3A_19 : vector<2048x128xf32>
    %add3A_22 = arith.addf %add3A, %mul3A_21 : vector<2048x128xf32>
    %swap3A = arith.constant 0 : index
    %swap3A_23 = arith.constant 0 : index
    %swap3A_24 = vector.load %arg3[%swap3A, %swap3A_23] : memref<2048x128xf32, #tpu.memory_space<vmem>>, vector<2048x128xf32>
    tpu.vector_store %arg3[%swap3A, %swap3A_23], %add3A_22 {strides = array<i32>} : memref<2048x128xf32, #tpu.memory_space<vmem>>, vector<2048x128xf32>,
    return
  }
  func.func @transform_0(%arg0: i32) -> (i32, i32) {
    %c0_i32 = arith.constant 0 : i32
    %c0_i32_0 = arith.constant 0 : i32
    return %arg0, %c0_i32 : i32, i32
  }
  func.func @transform_1(%arg0: i32) -> (i32, i32) {
    %c0_i32 = arith.constant 0 : i32
    %c0_i32_0 = arith.constant 0 : i32
    return %arg0, %c0_i32 : i32, i32
  }
  func.func @transform_2(%arg0: i32) -> (i32, i32) {
    %c0_i32 = arith.constant 0 : i32
    %c0_i32_0 = arith.constant 0 : i32
    return %arg0, %c0_i32 : i32, i32
  }
}

module attributes {stable_mosaic.version = 14 : i64} {
  func.func @_mm_add_bn_relu_kernel(%arg0: i32, %arg1: memref<256x2048xf32, #tpu.memory_space<vmem>>, %arg2: memref<2048x1024xf32, #tpu.memory_space<vmem>>, %arg3: memref<256x1024xf32, #tpu.memory_space<vmem>>, %arg4: memref<256x1xf32, #tpu.memory_space<vmem>>, %arg5: memref<256x1xf32, #tpu.memory_space<vmem>>, %arg6: memref<256x1xf32, #tpu.memory_space<vmem>>, %arg7: memref<256x1024xf32, #tpu.memory_space<vmem>>) attributes {dimension_semantics = [#tpu.dimension_semantics<arbitrary>], iteration_bounds = array<i64: 4>, scalar_prefetch = 0 : i64, scratch_operands = 0 : i64, tpu.core_type = #tpu.core_type<tc>, window_params = [{transform_indices = @transform_0, window_bounds = array<i64: 256, 2048>}, {pipeline_mode = #tpu.pipeline_mode<synchronous>, transform_indices = @transform_1, window_bounds = array<i64: 2048, 1024>}, {transform_indices = @transform_2, window_bounds = array<i64: 256, 1024>}, {transform_indices = @transform_3, window_bounds = array<i64: 256, 1>}, {transform_indices = @transform_4, window_bounds = array<i64: 256, 1>}, {transform_indices = @transform_5, window_bounds = array<i64: 256, 1>}, {transform_indices = @transform_6, window_bounds = array<i64: 256, 1024>}]} {
    %get3A = arith.constant 0 : index
    %get3A_0 = arith.constant 0 : index
    %get3A_1 = vector.load %arg3[%get3A, %get3A_0] : memref<256x1024xf32, #tpu.memory_space<vmem>>, vector<256x1024xf32>
    %get3A_2 = arith.constant 0 : index
    %get3A_3 = arith.constant 0 : index
    %get3A_4 = vector.load %arg1[%get3A_2, %get3A_3] : memref<256x2048xf32, #tpu.memory_space<vmem>>, vector<256x2048xf32>
    %get3A_5 = arith.constant 0 : index
    %get3A_6 = arith.constant 0 : index
    %get3A_7 = vector.load %arg2[%get3A_5, %get3A_6] : memref<2048x1024xf32, #tpu.memory_space<vmem>>, vector<2048x1024xf32>
    %dot_general3A = arith.constant dense<0.000000e+00> : vector<256x1024xf32>
    %dot_general3A_8 = tpu.matmul %get3A_4, %get3A_7, %dot_general3A {dimension_numbers = #tpu.dot_dimension_numbers<[1], [0], [0], [1], [0, 0, 1, 1], [], []>, transpose_lhs_hint = false} : vector<256x2048xf32>, vector<2048x1024xf32>, vector<256x1024xf32> -> vector<256x1024xf32>
    %add3A = arith.addf %get3A_1, %dot_general3A_8 : vector<256x1024xf32>
    %get3A_9 = arith.constant 0 : index
    %get3A_10 = arith.constant 0 : index
    %get3A_11 = vector.load %arg4[%get3A_9, %get3A_10] : memref<256x1xf32, #tpu.memory_space<vmem>>, vector<256x1xf32>
    %add3A_12 = vector.broadcast %get3A_11 : vector<256x1xf32> to vector<256x1024xf32>
    %add3A_13 = arith.addf %add3A, %add3A_12 : vector<256x1024xf32>
    %reduce_sum3A = arith.constant dense<0.000000e+00> : vector<256xf32>
    %reduce_sum3A_14 = vector.multi_reduction <add>, %add3A_13, %reduce_sum3A [1] : vector<256x1024xf32> to vector<256xf32>
    %broadcast_in_dim3A = vector.shape_cast %reduce_sum3A_14 : vector<256xf32> to vector<256x1xf32>
    %div3A = arith.constant 1.024000e+03 : f32
    %div3A_15 = vector.broadcast %div3A : f32 to vector<256x1xf32>
    %div3A_16 = arith.divf %broadcast_in_dim3A, %div3A_15 : vector<256x1xf32>
    %sub3A = vector.broadcast %div3A_16 : vector<256x1xf32> to vector<256x1024xf32>
    %sub3A_17 = arith.subf %add3A_13, %sub3A : vector<256x1024xf32>
    %mul3A = arith.mulf %sub3A_17, %sub3A_17 : vector<256x1024xf32>
    %reduce_sum3A_18 = arith.constant dense<0.000000e+00> : vector<256xf32>
    %reduce_sum3A_19 = vector.multi_reduction <add>, %mul3A, %reduce_sum3A_18 [1] : vector<256x1024xf32> to vector<256xf32>
    %broadcast_in_dim3A_20 = vector.shape_cast %reduce_sum3A_19 : vector<256xf32> to vector<256x1xf32>
    %div3A_21 = arith.constant 1.024000e+03 : f32
    %div3A_22 = vector.broadcast %div3A_21 : f32 to vector<256x1xf32>
    %div3A_23 = arith.divf %broadcast_in_dim3A_20, %div3A_22 : vector<256x1xf32>
    %add3A_24 = arith.constant 9.99999974E-6 : f32
    %add3A_25 = vector.broadcast %add3A_24 : f32 to vector<256x1xf32>
    %add3A_26 = arith.addf %div3A_23, %add3A_25 : vector<256x1xf32>
    %rsqrt3A = math.rsqrt %add3A_26 : vector<256x1xf32>
    %mul3A_27 = vector.broadcast %rsqrt3A : vector<256x1xf32> to vector<256x1024xf32>
    %mul3A_28 = arith.mulf %sub3A_17, %mul3A_27 : vector<256x1024xf32>
    %get3A_29 = arith.constant 0 : index
    %get3A_30 = arith.constant 0 : index
    %get3A_31 = vector.load %arg5[%get3A_29, %get3A_30] : memref<256x1xf32, #tpu.memory_space<vmem>>, vector<256x1xf32>
    %mul3A_32 = vector.broadcast %get3A_31 : vector<256x1xf32> to vector<256x1024xf32>
    %mul3A_33 = arith.mulf %mul3A_32, %mul3A_28 : vector<256x1024xf32>
    %get3A_34 = arith.constant 0 : index
    %get3A_35 = arith.constant 0 : index
    %get3A_36 = vector.load %arg6[%get3A_34, %get3A_35] : memref<256x1xf32, #tpu.memory_space<vmem>>, vector<256x1xf32>
    %add3A_37 = vector.broadcast %get3A_36 : vector<256x1xf32> to vector<256x1024xf32>
    %add3A_38 = arith.addf %mul3A_33, %add3A_37 : vector<256x1024xf32>
    %max3A = arith.constant 0.000000e+00 : f32
    %max3A_39 = vector.broadcast %max3A : f32 to vector<256x1024xf32>
    %max3A_40 = arith.maximumf %add3A_38, %max3A_39 : vector<256x1024xf32>
    %swap3A = arith.constant 0 : index
    %swap3A_41 = arith.constant 0 : index
    %swap3A_42 = vector.load %arg7[%swap3A, %swap3A_41] : memref<256x1024xf32, #tpu.memory_space<vmem>>, vector<256x1024xf32>
    tpu.vector_store %arg7[%swap3A, %swap3A_41], %max3A_40 {strides = array<i32>} : memref<256x1024xf32, #tpu.memory_space<vmem>>, vector<256x1024xf32>,
    return
  }
  func.func @transform_0(%arg0: i32) -> (i32, i32) {
    %c0_i32 = arith.constant 0 : i32
    %c0_i32_0 = arith.constant 0 : i32
    return %arg0, %c0_i32 : i32, i32
  }
  func.func @transform_1(%arg0: i32) -> (i32, i32) {
    %c0_i32 = arith.constant 0 : i32
    %c0_i32_0 = arith.constant 0 : i32
    %c0_i32_1 = arith.constant 0 : i32
    return %c0_i32, %c0_i32_0 : i32, i32
  }
  func.func @transform_2(%arg0: i32) -> (i32, i32) {
    %c0_i32 = arith.constant 0 : i32
    %c0_i32_0 = arith.constant 0 : i32
    return %arg0, %c0_i32 : i32, i32
  }
  func.func @transform_3(%arg0: i32) -> (i32, i32) {
    %c0_i32 = arith.constant 0 : i32
    %c0_i32_0 = arith.constant 0 : i32
    return %arg0, %c0_i32 : i32, i32
  }
  func.func @transform_4(%arg0: i32) -> (i32, i32) {
    %c0_i32 = arith.constant 0 : i32
    %c0_i32_0 = arith.constant 0 : i32
    return %arg0, %c0_i32 : i32, i32
  }
  func.func @transform_5(%arg0: i32) -> (i32, i32) {
    %c0_i32 = arith.constant 0 : i32
    %c0_i32_0 = arith.constant 0 : i32
    return %arg0, %c0_i32 : i32, i32
  }
  func.func @transform_6(%arg0: i32) -> (i32, i32) {
    %c0_i32 = arith.constant 0 : i32
    %c0_i32_0 = arith.constant 0 : i32
    return %arg0, %c0_i32 : i32, i32
  }
}

module attributes {stable_mosaic.version = 14 : i64} {
  func.func @_mm_bn_relu_kernel(%arg0: i32, %arg1: memref<256x1024xf32, #tpu.memory_space<vmem>>, %arg2: memref<1024x1024xf32, #tpu.memory_space<vmem>>, %arg3: memref<256x1xf32, #tpu.memory_space<vmem>>, %arg4: memref<256x1xf32, #tpu.memory_space<vmem>>, %arg5: memref<256x1xf32, #tpu.memory_space<vmem>>, %arg6: memref<256x1024xf32, #tpu.memory_space<vmem>>) attributes {dimension_semantics = [#tpu.dimension_semantics<arbitrary>], iteration_bounds = array<i64: 2>, scalar_prefetch = 0 : i64, scratch_operands = 0 : i64, tpu.core_type = #tpu.core_type<tc>, window_params = [{transform_indices = @transform_0, window_bounds = array<i64: 256, 1024>}, {pipeline_mode = #tpu.pipeline_mode<synchronous>, transform_indices = @transform_1, window_bounds = array<i64: 1024, 1024>}, {transform_indices = @transform_2, window_bounds = array<i64: 256, 1>}, {transform_indices = @transform_3, window_bounds = array<i64: 256, 1>}, {transform_indices = @transform_4, window_bounds = array<i64: 256, 1>}, {transform_indices = @transform_5, window_bounds = array<i64: 256, 1024>}]} {
    %get3A = arith.constant 0 : index
    %get3A_0 = arith.constant 0 : index
    %get3A_1 = vector.load %arg1[%get3A, %get3A_0] : memref<256x1024xf32, #tpu.memory_space<vmem>>, vector<256x1024xf32>
    %get3A_2 = arith.constant 0 : index
    %get3A_3 = arith.constant 0 : index
    %get3A_4 = vector.load %arg2[%get3A_2, %get3A_3] : memref<1024x1024xf32, #tpu.memory_space<vmem>>, vector<1024x1024xf32>
    %dot_general3A = arith.constant dense<0.000000e+00> : vector<256x1024xf32>
    %dot_general3A_5 = tpu.matmul %get3A_1, %get3A_4, %dot_general3A {dimension_numbers = #tpu.dot_dimension_numbers<[1], [0], [0], [1], [0, 0, 1, 1], [], []>, transpose_lhs_hint = false} : vector<256x1024xf32>, vector<1024x1024xf32>, vector<256x1024xf32> -> vector<256x1024xf32>
    %get3A_6 = arith.constant 0 : index
    %get3A_7 = arith.constant 0 : index
    %get3A_8 = vector.load %arg3[%get3A_6, %get3A_7] : memref<256x1xf32, #tpu.memory_space<vmem>>, vector<256x1xf32>
    %add3A = vector.broadcast %get3A_8 : vector<256x1xf32> to vector<256x1024xf32>
    %add3A_9 = arith.addf %dot_general3A_5, %add3A : vector<256x1024xf32>
    %reduce_sum3A = arith.constant dense<0.000000e+00> : vector<256xf32>
    %reduce_sum3A_10 = vector.multi_reduction <add>, %add3A_9, %reduce_sum3A [1] : vector<256x1024xf32> to vector<256xf32>
    %broadcast_in_dim3A = vector.shape_cast %reduce_sum3A_10 : vector<256xf32> to vector<256x1xf32>
    %div3A = arith.constant 1.024000e+03 : f32
    %div3A_11 = vector.broadcast %div3A : f32 to vector<256x1xf32>
    %div3A_12 = arith.divf %broadcast_in_dim3A, %div3A_11 : vector<256x1xf32>
    %sub3A = vector.broadcast %div3A_12 : vector<256x1xf32> to vector<256x1024xf32>
    %sub3A_13 = arith.subf %add3A_9, %sub3A : vector<256x1024xf32>
    %mul3A = arith.mulf %sub3A_13, %sub3A_13 : vector<256x1024xf32>
    %reduce_sum3A_14 = arith.constant dense<0.000000e+00> : vector<256xf32>
    %reduce_sum3A_15 = vector.multi_reduction <add>, %mul3A, %reduce_sum3A_14 [1] : vector<256x1024xf32> to vector<256xf32>
    %broadcast_in_dim3A_16 = vector.shape_cast %reduce_sum3A_15 : vector<256xf32> to vector<256x1xf32>
    %div3A_17 = arith.constant 1.024000e+03 : f32
    %div3A_18 = vector.broadcast %div3A_17 : f32 to vector<256x1xf32>
    %div3A_19 = arith.divf %broadcast_in_dim3A_16, %div3A_18 : vector<256x1xf32>
    %add3A_20 = arith.constant 9.99999974E-6 : f32
    %add3A_21 = vector.broadcast %add3A_20 : f32 to vector<256x1xf32>
    %add3A_22 = arith.addf %div3A_19, %add3A_21 : vector<256x1xf32>
    %rsqrt3A = math.rsqrt %add3A_22 : vector<256x1xf32>
    %mul3A_23 = vector.broadcast %rsqrt3A : vector<256x1xf32> to vector<256x1024xf32>
    %mul3A_24 = arith.mulf %sub3A_13, %mul3A_23 : vector<256x1024xf32>
    %get3A_25 = arith.constant 0 : index
    %get3A_26 = arith.constant 0 : index
    %get3A_27 = vector.load %arg4[%get3A_25, %get3A_26] : memref<256x1xf32, #tpu.memory_space<vmem>>, vector<256x1xf32>
    %mul3A_28 = vector.broadcast %get3A_27 : vector<256x1xf32> to vector<256x1024xf32>
    %mul3A_29 = arith.mulf %mul3A_28, %mul3A_24 : vector<256x1024xf32>
    %get3A_30 = arith.constant 0 : index
    %get3A_31 = arith.constant 0 : index
    %get3A_32 = vector.load %arg5[%get3A_30, %get3A_31] : memref<256x1xf32, #tpu.memory_space<vmem>>, vector<256x1xf32>
    %add3A_33 = vector.broadcast %get3A_32 : vector<256x1xf32> to vector<256x1024xf32>
    %add3A_34 = arith.addf %mul3A_29, %add3A_33 : vector<256x1024xf32>
    %max3A = arith.constant 0.000000e+00 : f32
    %max3A_35 = vector.broadcast %max3A : f32 to vector<256x1024xf32>
    %max3A_36 = arith.maximumf %add3A_34, %max3A_35 : vector<256x1024xf32>
    %swap3A = arith.constant 0 : index
    %swap3A_37 = arith.constant 0 : index
    %swap3A_38 = vector.load %arg6[%swap3A, %swap3A_37] : memref<256x1024xf32, #tpu.memory_space<vmem>>, vector<256x1024xf32>
    tpu.vector_store %arg6[%swap3A, %swap3A_37], %max3A_36 {strides = array<i32>} : memref<256x1024xf32, #tpu.memory_space<vmem>>, vector<256x1024xf32>,
    return
  }
  func.func @transform_0(%arg0: i32) -> (i32, i32) {
    %c0_i32 = arith.constant 0 : i32
    %c0_i32_0 = arith.constant 0 : i32
    return %arg0, %c0_i32 : i32, i32
  }
  func.func @transform_1(%arg0: i32) -> (i32, i32) {
    %c0_i32 = arith.constant 0 : i32
    %c0_i32_0 = arith.constant 0 : i32
    %c0_i32_1 = arith.constant 0 : i32
    return %c0_i32, %c0_i32_0 : i32, i32
  }
  func.func @transform_2(%arg0: i32) -> (i32, i32) {
    %c0_i32 = arith.constant 0 : i32
    %c0_i32_0 = arith.constant 0 : i32
    return %arg0, %c0_i32 : i32, i32
  }
  func.func @transform_3(%arg0: i32) -> (i32, i32) {
    %c0_i32 = arith.constant 0 : i32
    %c0_i32_0 = arith.constant 0 : i32
    return %arg0, %c0_i32 : i32, i32
  }
  func.func @transform_4(%arg0: i32) -> (i32, i32) {
    %c0_i32 = arith.constant 0 : i32
    %c0_i32_0 = arith.constant 0 : i32
    return %arg0, %c0_i32 : i32, i32
  }
  func.func @transform_5(%arg0: i32) -> (i32, i32) {
    %c0_i32 = arith.constant 0 : i32
    %c0_i32_0 = arith.constant 0 : i32
    return %arg0, %c0_i32 : i32, i32
  }
}

</mosaic_0001>

<sc_bundles>
// kernel: kernel.8.cloned.1.call-start
scs
__scs_entry_jumppad:
0x0: {  	(pc) =	sbr.rel $0x88, $3  }
0x1: {  	(tag) =	ssettag $0x0;
	lr =	simm.s32 $0x1  }
0x2: {  	[smem:$0x3F95] =	sst lr;
	_ =	strace $0xD0000000  }
0x3: {  	_ = 	snop  }
0x4: {  	_ = 	snop  }
0x5: {  	_ = 	snop  }
0x6: {  	_ = 	snop  }
0x7: {  	_ = 	snop  }
__scs_overlays_trampoline_lowered:
0x8: {  	[smem:$0x3FA4] =	sst s0  }
0x9: {  	[smem:$0x3FA5] =	sst s1  }
0xa: {  	[smem:$0x3FA6] =	sst s2  }
0xb: {  	[smem:$0x3FA7] =	sst s3  }
0xc: {  	[smem:$0x3FA8] =	sst s4  }
0xd: {  	[smem:$0x3FA9] =	sst s5  }
0xe: {  	[smem:$0x3FAA] =	sst s6  }
0xf: {  	[smem:$0x3FAB] =	sst s7  }
0x10: {  	[smem:$0x3FAC] =	sst s8  }
0x11: {  	[smem:$0x3FAD] =	sst s9;
	s0 =	simm.s32 @!p0 $0x0  }
0x12: {  	s1 =	sld [smem:$0x3F93];
	s0 =	simm.s32 @p0 $0x1  }
0x13: {  	[smem:$0x3FAE] =	sst s0;
	s0 =	simm.s32 @!p1 $0x0  }
0x14: {  	s2 =	sld [smem:$0x3F92];
	s0 =	simm.s32 @p1 $0x1  }
0x15: {  	[smem:$0x3FAF] =	sst s0;
	s0 =	simm.s32 @!p2 $0x0  }
0x16: {  	s3 =	sld [smem:$0x3FDB];
	s0 =	simm.s32 @p2 $0x1  }
0x17: {  	s4 =	simm.s32 $0x1BF5;
	[smem:$0x3FB1] =	sst s0  }
0x18: {  	s0 =	sld [smem:$0x3F94];
	_ =	swait.ge [sflag:s4], $0x0  }
0x19: {  	s7 =	sld [smem:$0x3F95]  }
0x1a: {  	s8 =	sadd.s32 $0xFFFFE003, lr  }
0x1b: {  	s9 =	sadd.s32 $0xFFFFFEF7, lr;
	s5 =	simm.s32 $0xFFFFFFFF;
	p2 =	slt.u32 s8, $0xFFFFF086  }
0x1c: {  	p1 =	slt.u32 s9, $0xF7A;
	s5 =	simm.s32 @!p2 $0x0  }
0x1d: {  	s5 =	simm.s32 @p1 $0x1;
	p0 =	seq.s32 s7, s2  }
0x1e: {  	s7 =	smul.u32 @!p0 $0xF7A, s2;
	p2 =	seq.s32 @!p0 s5, $0x0  }
0x1f: {  	s9 =	smul.u32 $0xF7A, s1;
	s8 =	simm.s32 @!p0 $0x1BF5;
	p2 =	por !p2, p0  }
0x20: {  	[sflag:s8] =	ssyncset.s32 @!p0 $0xFFFFF086;
	s6 =	sadd.s32 @!p0 s3, s7;
	s7 =	simm.s32 @!p0 $0x108  }
0x21: {  	s3 =	sadd.s32 s3, s9;
	s6 =	sadd.s32 @!p0 $0x88, s6;
	s7 =	simm.s32 @p2 $0x1082  }
0x22: {  	[simem:s7], [sflag:s8] =	dma.local @!p0 [hbm:s6], $0xF7A  }
0x23: {  	s9 =	sor.u32 $0xD0000000, s2;
	s6 =	simm.s32 $0x108;
	_ =	swait.ge @!p0 [sflag:s8], $0x0  }
0x24: {  	s3 =	sadd.s32 $0x88, s3;
	s6 =	simm.s32 @!p1 $0x1082;
	[sflag:s4] =	ssyncset.s32 $0xFFFFF086  }
0x25: {  	[simem:s6], [sflag:s4] =	dma.local [hbm:s3], $0xF7A  }
0x26: {  	[smem:$0x3F95] =	sst s1;
	(tag) =	ssettag s2;
	_ =	strace s9  }
0x27: {  	s1 =	sld [smem:$0x3FA5]  }
0x28: {  	s2 =	sld [smem:$0x3FA6]  }
0x29: {  	s4 =	sld [smem:$0x3FA8]  }
0x2a: {  	p0 =	seq.s32 s5, $0x0;
	s5 =	sld [smem:$0x3FA9]  }
0x2b: {  	s6 =	sld [smem:$0x3FAA]  }
0x2c: {  	s7 =	sld [smem:$0x3FAB]  }
0x2d: {  	s3 =	simm.s32 $0x108;
	s8 =	sld [smem:$0x3FAC]  }
0x2e: {  	s3 =	simm.s32 @!p0 $0x1082;
	s9 =	sld [smem:$0x3FAD]  }
0x2f: {  	lr =	sadd.s32 s0, s3;
	s0 =	sld [smem:$0x3FA4]  }
0x30: {  	s3 =	sld [smem:$0x3FA7]  }
0x31: {  	[smem:$0x3FB0] =	sst s10  }
0x32: {  	s10 =	sld [smem:$0x3FAE];
	_ =	sdelay $0x3  }
0x33: {  	p0 =	seq.s32 s10, $0x1;
	s10 =	sld [smem:$0x3FB0];
	_ =	sdelay $0x3  }
0x34: {  	[smem:$0x3FB0] =	sst s10  }
0x35: {  	s10 =	sld [smem:$0x3FAF];
	_ =	sdelay $0x3  }
0x36: {  	p1 =	seq.s32 s10, $0x1;
	s10 =	sld [smem:$0x3FB0];
	_ =	sdelay $0x3  }
0x37: {  	[smem:$0x3FB0] =	sst s10  }
0x38: {  	s10 =	sld [smem:$0x3FB1]  }
0x39: {  	_ = 	snop;
	(pc) =	sbr.ind lr, $3  }
0x3a: {  	_ = 	snop  }
0x3b: {  	_ = 	snop  }
0x3c: {  	p2 =	seq.s32 s10, $0x1;
	s10 =	sld [smem:$0x3FB0]  }
0x3d: {  	_ =	shalt  }
0x3e: {  	_ =	shalt  }
0x3f: {  	_ =	shalt  }
0x40: {  	_ =	shalt  }
0x41: {  	_ =	shalt  }
0x42: {  	_ =	shalt  }
0x43: {  	_ =	shalt  }
0x44: {  	_ =	shalt  }
0x45: {  	_ =	shalt  }
0x46: {  	_ =	shalt  }
0x47: {  	_ =	shalt  }
0x48: {  	_ =	shalt  }
0x49: {  	_ =	shalt  }
0x4a: {  	_ =	shalt  }
0x4b: {  	_ =	shalt  }
0x4c: {  	_ =	shalt  }
0x4d: {  	_ =	shalt  }
0x4e: {  	_ =	shalt  }
0x4f: {  	_ =	shalt  }
0x50: {  	_ =	shalt  }
0x51: {  	_ =	shalt  }
0x52: {  	_ =	shalt  }
0x53: {  	_ =	shalt  }
0x54: {  	_ =	shalt  }
0x55: {  	_ =	shalt  }
0x56: {  	_ =	shalt  }
0x57: {  	_ =	shalt  }
0x58: {  	_ =	shalt  }
0x59: {  	_ =	shalt  }
0x5a: {  	_ =	shalt  }
0x5b: {  	_ =	shalt  }
0x5c: {  	_ =	shalt  }
0x5d: {  	_ =	shalt  }
0x5e: {  	_ =	shalt  }
0x5f: {  	_ =	shalt  }
0x60: {  	_ =	shalt  }
0x61: {  	_ =	shalt  }
0x62: {  	_ =	shalt  }
0x63: {  	_ =	shalt  }
0x64: {  	_ =	shalt  }
0x65: {  	_ =	shalt  }
0x66: {  	_ =	shalt  }
0x67: {  	_ =	shalt  }
0x68: {  	_ =	shalt  }
0x69: {  	_ =	shalt  }
0x6a: {  	_ =	shalt  }
0x6b: {  	_ =	shalt  }
0x6c: {  	_ =	shalt  }
0x6d: {  	_ =	shalt  }
0x6e: {  	_ =	shalt  }
0x6f: {  	_ =	shalt  }
0x70: {  	_ =	shalt  }
0x71: {  	_ =	shalt  }
0x72: {  	_ =	shalt  }
0x73: {  	_ =	shalt  }
0x74: {  	_ =	shalt  }
0x75: {  	_ =	shalt  }
0x76: {  	_ =	shalt  }
0x77: {  	_ =	shalt  }
0x78: {  	_ =	shalt  }
0x79: {  	_ =	shalt  }
0x7a: {  	_ =	shalt  }
0x7b: {  	_ =	shalt  }
0x7c: {  	_ =	shalt  }
0x7d: {  	_ =	shalt  }
0x7e: {  	_ =	shalt  }
0x7f: {  	_ =	shalt  }
0x80: {  	_ =	shalt  }
0x81: {  	_ =	shalt  }
0x82: {  	_ =	shalt  }
0x83: {  	_ =	shalt  }
0x84: {  	_ =	shalt  }
0x85: {  	_ =	shalt  }
0x86: {  	_ =	shalt  }
0x87: {  	_ =	shalt  }
.Lfunc_end0:
.L_simem_size_0:
called_computation_lowered:
.L_overlay_start_0:
0x88: {  	s2 =	sld [smem:$0x3FD9]  }
0x89: {  	s3 =	sld [smem:$0x3FFE];
	_ =	sdelay $0x1  }
0x8a: {  	s1 =	srdreg.scid  }
0x8b: {  	s0 =	sand.u32 $0x1, s1  }
0x8c: {  	s17 =	sshll.u32 s0, $0xA;
	s2 =	sadd.s32 s3, s2  }
0x8d: {  	s2 =	sadd.s32 s2, s17  }
0x8e: {  	[smem:$0x3FBC] =	sst s2  }
0x8f: {  	_ = 	snop  }
0x90: {  	s2 =	sld [smem:$0x3FD0];
	(tm) =	ssettm $0x1  }
0x91: {  	s18 =	sld [smem:$0x3FFB];
	_ =	sdelay $0x3  }
0x92: {  	_ =	strace s18  }
0x93: {  	s3 =	sld [smem:$0x3FFC];
	_ =	sdelay $0x3  }
0x94: {  	_ =	strace s3  }
0x95: {  	s3 =	sld [smem:$0x3FFD];
	_ =	sdelay $0x3  }
0x96: {  	_ =	strace s3  }
0x97: {  	_ =	strace $0x8FFFFFFF  }
0x98: {  	s19 =	sld [smem:$0x3FDB];
	_ =	sdelay $0x1  }
0x99: {  	s4 =	simm.s32 $_scs_section_size  }
0x9a: {  	s5 =	simm.s32 $_size__tile_overlayer_lowered;
	s6 =	simm.s32 $_tile_overlayer_lowered  }
0x9b: {  	s22 =	simm.s32 $0x1BFF;
	s21 =	sshll.u32 s6, $0x1;
	s3 =	sadd.s32 s4, s19  }
0x9c: {  	s7 =	simm.s32 $0x0;
	s20 =	sshll.u32 s5, $0x1;
	s5 =	sadd.s32 s21, s3  }
0x9d: {  	[timem:s7], [sflag:s22] =	dma.local [hbm:s5], s20  }
0x9e: {  	_ =	swait.ge [sflag:s22], s20  }
0x9f: {  	s4 =	ssub.s32 $0x0, s20;
	[sflag:s22] =	ssyncset.done $0x0  }
0xa0: {  	[sflag:s22] =	ssyncadd.s32 s4;
	_ =	sdelay $0x1  }
0xa1: {  	s23 =	simm.s32 $0x1B8B  }
0xa2: {  	_ =	swait.ge [sflag:s23], $0x1  }
0xa3: {  	[sflag:s23] =	ssyncset.done $0x0  }
0xa4: {  	s25 =	simm.s32 $0x1B8E;
	s24 =	sld [smem:$0x3FFE];
	[sflag:s23] =	ssyncadd.s32 $0xFFFFFFFF  }
0xa5: {  	s26 =	simm.s32 $execute0_lowered;
	[smem:$0x3FD2] =	sst s25  }
0xa6: {  	s5 =	sshll.u32 s26, $0x1;
	_ =	strace $0x80000046;
	[dreg:$0x1] =	wrdreg $0xFFFFFFFF  }
0xa7: {  	s28 =	simm.s32 $_size_execute0_lowered;
	s3 =	sadd.s32 s3, s5;
	[dreg:$0x0] =	wrdreg $0x0  }
0xa8: {  	s5 =	sshll.u32 s28, $0x1;
	[dreg:$0x2] =	wrdreg s3  }
0xa9: {  	[dreg:$0x3] =	wrdreg s5  }
0xaa: {  	[dreg:$0x4] =	wrdreg $0xC0  }
0xab: {  	_ =	task [dreg:s7], $0x5FFFF  }
0xac: {  	[dreg:$0x1] =	wrdreg $0xFFFFFFFF  }
0xad: {  	[dreg:$0x0] =	wrdreg $0x60  }
0xae: {  	[dreg:$0x2] =	wrdreg s2  }
0xaf: {  	[dreg:$0x3] =	wrdreg s24  }
0xb0: {  	[dreg:$0x4] =	wrdreg $0x9  }
0xb1: {  	_ =	task.clear_ibuf [dreg:s7], $0x5FFFF;
	_ =	strace $0x90000046  }
0xb2: {  	s29 =	simm.s32 $0x9;
	_ =	strace $0x80000048  }
0xb3: {  	_ =	swait.ge [sflag:s29], $0x1  }
0xb4: {  	[sflag:s29] =	ssyncadd.s32 $0xFFFFFFFF  }
0xb5: {  	_ =	strace $0x90000048  }
0xb6: {  	_ =	sfence  }
0xb7: {  	s30 =	sld [smem:$0x0];
	_ =	sdelay $0x2  }
0xb8: {  	s31 =	sshll.u32 s1, $0xD;
	s1 =	sshrl.u32 s1, $0x2  }
0xb9: {  	s3 =	sand.u32 $0x4000, s31;
	s1 =	sadd.s32 s1, s30  }
0xba: {  	s0 =	sor.u32 s3, s0;
	s1 =	sshll.u32 s1, $0x11  }
0xbb: {  	s0 =	sor.u32 s1, s0  }
0xbc: {  	s0 =	sadd.s32 $0x8F2B, s0  }
0xbd: {  	[sflag:s0] =	ssyncadd.remote.s32 $0x1  }
0xbe: {  	_ =	sfence.sel $0xFFFF  }
0xbf: {  	[dreg:$0x0] =	wrdreg $0xFFFFFFFF;
	(pc) =	sbr.abs _section_cstart, $3  }
0xc0: {  	[dreg:$0x1] =	wrdreg $0xFFFFFFFF  }
0xc1: {  	_ =	task.clear_ibuf [dreg:s7], $0x2FFFF;
	_ =	strace $0x9FFFFFFF  }
0xc2: {  	(tm) =	ssettm $0x7FFFFFFF  }
0xc3: {  	_ =	shalt  }
tec
execute0_lowered:
.L_overlay_start_1:
0x0: {  	(tag) =	ssettag $0x1  }
0x1: {  	s1 =	srdreg.scid;
	s0 =	stileid.u32  }
0x2: {  	s17 =	sand.u32 $0x1, s1;
	s25 =	sshll.u32 s0, $0x1  }
0x3: {  	s2 =	rddreg [dreg:$0x0];
	s11 =	sor.u32 s17, s25  }
0x4: {  	s12 =	rddreg [dreg:$0x1];
	s15 =	smul.u32 $0x600, s11  }
0x5: {  	s3 =	simm.s32 $0x0;
	s1 =	rddreg [dreg:$0x2]  }
0x6: {  	[smem:$0x7FF] =	sst s3;
	s16 =	sadd.s32 $0x42600, s12;
	s4 =	sshrl.u32 s15, $0x3  }
0x7: {  	_ =	strace $0x80000047;
	s5 =	sadd.s32 s16, s4;
	s4 =	simm.s32 $0x3  }
0x8: {  	[tilespmem:s3], [sflag:$0x3] =	stream.linear.gather [hbm4b:s5+s3], $0x180, $0x38;
	[tilespmem:$0x18300] =	vst v63  }
0x9: {  	_ =	swait.ge [sflag:s4], $0x180  }
0xa: {  	s6 =	simm.s32 $0x180;
	s14 =	sor.u32 $0x180, s15;
	[sflag:s4] =	ssyncset.done $0x0  }
0xb: {  	s7 =	simm.s32 $0x300;
	s8 =	sshrl.u32 s14, $0x3;
	[sflag:s4] =	ssyncadd.s32 $0xFFFFFE80  }
0xc: {  	[tilespmem:s7], [sflag:$0x1] =	stream.indirect.gather [hbm4b:s2+s6], $0x80, s3, s6, $0xb8;
	[tilespmem:$0x18300] =	vst v63  }
0xd: {  	s8 =	sadd.s32 s16, s8  }
0xe: {  	[tilespmem:s6], [sflag:$0x3] =	stream.linear.gather [hbm4b:s8+s3], $0x180, $0x38;
	[tilespmem:$0x18300] =	vst v63  }
0xf: {  	_ =	swait.ge [sflag:s4], $0x180  }
0x10: {  	[sflag:s4] =	ssyncset.done $0x0  }
0x11: {  	s9 =	simm.s32 $0xC300;
	s10 =	simm.s32 $0x1;
	[sflag:s4] =	ssyncadd.s32 $0xFFFFFE80  }
0x12: {  	[tilespmem:s9], [sflag:$0x2] =	stream.indirect.gather [hbm4b:s2+s6], $0x80, s6, s6, $0xb8;
	[tilespmem:$0x18300] =	vst v63  }
0x13: {  	s11 =	smul.u32 $0x6000, s11;
	_ =	swait.ge [sflag:s10], $0xC000  }
0x14: {  	s18 =	sadd.s32 $0x43E00, s12;
	[sflag:s10] =	ssyncset.done $0x0  }
0x15: {  	s11 =	sadd.s32 s18, s11;
	[sflag:s10] =	ssyncadd.s32 $0xFFFF4000  }
0x16: {  	[hbm4b:s11+s3] =	stream.linear.scatter [tilespmem:s7], [sflag:$0x3], $0xC000, $0x38;
	[tilespmem:$0x18300] =	vst v63  }
0x17: {  	s19 =	sadd.s32 $0x300, s15;
	_ =	swait.ge [sflag:s4], $0xC000  }
0x18: {  	s26 =	sshrl.u32 s19, $0x3;
	[sflag:s4] =	ssyncset.done $0x0  }
0x19: {  	s12 =	sadd.s32 s16, s26;
	[sflag:s4] =	ssyncadd.s32 $0xFFFF4000  }
0x1a: {  	[tilespmem:s3], [sflag:$0x3] =	stream.linear.gather [hbm4b:s12+s3], $0x180, $0x38;
	[tilespmem:$0x18300] =	vst v63  }
0x1b: {  	_ =	swait.ge [sflag:s4], $0x180  }
0x1c: {  	[sflag:s4] =	ssyncset.done $0x0  }
0x1d: {  	s13 =	simm.s32 $0x2;
	[sflag:s4] =	ssyncadd.s32 $0xFFFFFE80  }
0x1e: {  	[tilespmem:s7], [sflag:$0x1] =	stream.indirect.gather [hbm4b:s2+s6], $0x80, s3, s6, $0xb8;
	[tilespmem:$0x18300] =	vst v63  }
0x1f: {  	_ =	swait.ge [sflag:s13], $0xC000  }
0x20: {  	s14 =	sshll.u32 s14, $0x4;
	[sflag:s13] =	ssyncset.done $0x0  }
0x21: {  	s14 =	sadd.s32 s18, s14;
	[sflag:s13] =	ssyncadd.s32 $0xFFFF4000  }
0x22: {  	[hbm4b:s14+s3] =	stream.linear.scatter [tilespmem:s9], [sflag:$0x3], $0xC000, $0x38;
	[tilespmem:$0x18300] =	vst v63  }
0x23: {  	s20 =	sadd.s32 $0x480, s15;
	_ =	swait.ge [sflag:s4], $0xC000  }
0x24: {  	s15 =	sshrl.u32 s20, $0x3;
	[sflag:s4] =	ssyncset.done $0x0  }
0x25: {  	s15 =	sadd.s32 s16, s15;
	[sflag:s4] =	ssyncadd.s32 $0xFFFF4000  }
0x26: {  	[tilespmem:s6], [sflag:$0x3] =	stream.linear.gather [hbm4b:s15+s3], $0x180, $0x38;
	[tilespmem:$0x18300] =	vst v63  }
0x27: {  	_ =	swait.ge [sflag:s4], $0x180  }
0x28: {  	[sflag:s4] =	ssyncset.done $0x0  }
0x29: {  	[sflag:s4] =	ssyncadd.s32 $0xFFFFFE80  }
0x2a: {  	[tilespmem:s9], [sflag:$0x2] =	stream.indirect.gather [hbm4b:s2+s6], $0x80, s6, s6, $0xb8;
	[tilespmem:$0x18300] =	vst v63  }
0x2b: {  	_ =	swait.ge [sflag:s10], $0xC000  }
0x2c: {  	s28 =	sshll.u32 s19, $0x4;
	[sflag:s10] =	ssyncset.done $0x0  }
0x2d: {  	s17 =	ssub.s32 $0x2, s17;
	s16 =	sadd.s32 s18, s28;
	[sflag:s10] =	ssyncadd.s32 $0xFFFF4000  }
0x2e: {  	[hbm4b:s16+s3] =	stream.linear.scatter [tilespmem:s7], [sflag:$0x3], $0xC000, $0x38;
	[tilespmem:$0x18300] =	vst v63  }
0x2f: {  	s29 =	sshrl.u32 s17, $0x1;
	_ =	swait.ge [sflag:s4], $0xC000  }
0x30: {  	s19 =	ssub.s32 s17, s29;
	[sflag:s4] =	ssyncset.done $0x0  }
0x31: {  	s31 =	smax.u32 s19, $0x1;
	[sflag:s4] =	ssyncadd.s32 $0xFFFF4000  }
0x32: {  	p0 =	sne.s32 s31, $0x1;
	_ =	swait.ge [sflag:s13], $0xC000  }
.Ltmp0:
0x33: {  	s30 =	sshll.u32 s20, $0x4;
	[sflag:s13] =	ssyncset.done $0x0;
	(pc) =	sbr.rel @!p0 .LBB2_2-.Ltmp0, $4  }
0x34: {  	s17 =	sadd.s32 s18, s30;
	[sflag:s13] =	ssyncadd.s32 $0xFFFF4000  }
0x35: {  	[hbm4b:s17+s3] =	stream.linear.scatter [tilespmem:s9], [sflag:$0x3], $0xC000, $0x38;
	[tilespmem:$0x18300] =	vst v63  }
0x36: {  	_ =	swait.ge [sflag:s4], $0xC000  }
0x37: {  	s18 =	sadd.s32 $0xFFFFFFFF, s31;
	[sflag:s4] =	ssyncset.done $0x0  }
.LBB2_1:
0x38: {  	p0 =	sne.s32 s18, $0x1;
	s18 =	sadd.s32 $0xFFFFFFFF, s18;
	[sflag:s4] =	ssyncadd.s32 $0xFFFF4000  }
0x39: {  	[tilespmem:s3], [sflag:$0x3] =	stream.linear.gather [hbm4b:s5+s3], $0x180, $0x38;
	[tilespmem:$0x18300] =	vst v63  }
0x3a: {  	_ =	swait.ge [sflag:s4], $0x180  }
0x3b: {  	[sflag:s4] =	ssyncset.done $0x0  }
0x3c: {  	[sflag:s4] =	ssyncadd.s32 $0xFFFFFE80  }
0x3d: {  	[tilespmem:s7], [sflag:$0x1] =	stream.indirect.gather [hbm4b:s2+s6], $0x80, s3, s6, $0xb8;
	[tilespmem:$0x18300] =	vst v63  }
0x3e: {  	_ = 	snop  }
0x3f: {  	[tilespmem:s6], [sflag:$0x3] =	stream.linear.gather [hbm4b:s8+s3], $0x180, $0x38;
	[tilespmem:$0x18300] =	vst v63  }
0x40: {  	_ =	swait.ge [sflag:s4], $0x180  }
0x41: {  	[sflag:s4] =	ssyncset.done $0x0  }
0x42: {  	[sflag:s4] =	ssyncadd.s32 $0xFFFFFE80  }
0x43: {  	[tilespmem:s9], [sflag:$0x2] =	stream.indirect.gather [hbm4b:s2+s6], $0x80, s6, s6, $0xb8;
	[tilespmem:$0x18300] =	vst v63  }
0x44: {  	_ =	swait.ge [sflag:s10], $0xC000  }
0x45: {  	[sflag:s10] =	ssyncset.done $0x0  }
0x46: {  	[sflag:s10] =	ssyncadd.s32 $0xFFFF4000  }
0x47: {  	[hbm4b:s11+s3] =	stream.linear.scatter [tilespmem:s7], [sflag:$0x3], $0xC000, $0x38;
	[tilespmem:$0x18300] =	vst v63  }
0x48: {  	_ =	swait.ge [sflag:s4], $0xC000  }
0x49: {  	[sflag:s4] =	ssyncset.done $0x0  }
0x4a: {  	[sflag:s4] =	ssyncadd.s32 $0xFFFF4000  }
0x4b: {  	[tilespmem:s3], [sflag:$0x3] =	stream.linear.gather [hbm4b:s12+s3], $0x180, $0x38;
	[tilespmem:$0x18300] =	vst v63  }
0x4c: {  	_ =	swait.ge [sflag:s4], $0x180  }
0x4d: {  	[sflag:s4] =	ssyncset.done $0x0  }
0x4e: {  	[sflag:s4] =	ssyncadd.s32 $0xFFFFFE80  }
0x4f: {  	[tilespmem:s7], [sflag:$0x1] =	stream.indirect.gather [hbm4b:s2+s6], $0x80, s3, s6, $0xb8;
	[tilespmem:$0x18300] =	vst v63  }
0x50: {  	_ =	swait.ge [sflag:s13], $0xC000  }
0x51: {  	[sflag:s13] =	ssyncset.done $0x0  }
0x52: {  	[sflag:s13] =	ssyncadd.s32 $0xFFFF4000  }
0x53: {  	[hbm4b:s14+s3] =	stream.linear.scatter [tilespmem:s9], [sflag:$0x3], $0xC000, $0x38;
	[tilespmem:$0x18300] =	vst v63  }
0x54: {  	_ =	swait.ge [sflag:s4], $0xC000  }
0x55: {  	[sflag:s4] =	ssyncset.done $0x0  }
0x56: {  	[sflag:s4] =	ssyncadd.s32 $0xFFFF4000  }
0x57: {  	[tilespmem:s6], [sflag:$0x3] =	stream.linear.gather [hbm4b:s15+s3], $0x180, $0x38;
	[tilespmem:$0x18300] =	vst v63  }
0x58: {  	_ =	swait.ge [sflag:s4], $0x180  }
0x59: {  	[sflag:s4] =	ssyncset.done $0x0  }
0x5a: {  	[sflag:s4] =	ssyncadd.s32 $0xFFFFFE80  }
0x5b: {  	[tilespmem:s9], [sflag:$0x2] =	stream.indirect.gather [hbm4b:s2+s6], $0x80, s6, s6, $0xb8;
	[tilespmem:$0x18300] =	vst v63  }
0x5c: {  	_ =	swait.ge [sflag:s10], $0xC000  }
0x5d: {  	[sflag:s10] =	ssyncset.done $0x0  }
0x5e: {  	[sflag:s10] =	ssyncadd.s32 $0xFFFF4000  }
0x5f: {  	[hbm4b:s16+s3] =	stream.linear.scatter [tilespmem:s7], [sflag:$0x3], $0xC000, $0x38;
	[tilespmem:$0x18300] =	vst v63  }
0x60: {  	_ =	swait.ge [sflag:s4], $0xC000  }
0x61: {  	[sflag:s4] =	ssyncset.done $0x0  }
0x62: {  	[sflag:s4] =	ssyncadd.s32 $0xFFFF4000  }
0x63: {  	_ =	swait.ge [sflag:s13], $0xC000  }
.Ltmp1:
0x64: {  	[sflag:s13] =	ssyncset.done $0x0;
	(pc) =	sbr.rel @p0 .LBB2_1-.Ltmp1, $4  }
0x65: {  	[sflag:s13] =	ssyncadd.s32 $0xFFFF4000  }
0x66: {  	[hbm4b:s17+s3] =	stream.linear.scatter [tilespmem:s9], [sflag:$0x3], $0xC000, $0x38;
	[tilespmem:$0x18300] =	vst v63  }
0x67: {  	_ =	swait.ge [sflag:s4], $0xC000  }
0x68: {  	[sflag:s4] =	ssyncset.done $0x0  }
.LBB2_2:
0x69: {  	[sflag:s4] =	ssyncadd.s32 $0xFFFF4000  }
0x6a: {  	_ =	sfence.sel $0x180000  }
0x6b: {  	[bflag:$0x0] =	sbarrier.arrive $0xFFFF  }
0x6c: {  	p0 =	sne.s32 s0, $0x0;
	_ =	strace $0x90000047  }
0x6d: {  	s0 =	sadd.s32 @!p0 $0x100000, s1;
	[bflag:$0x2] =	sbarrier.arrive $0xFFFF  }
0x6e: {  	[sflag:s0] =	ssyncadd.tile.s32 @!p0 $0x1;
	_ =	shalt  }
.Lfunc_end2:
_tile_overlayer_lowered:
.L_overlay_start_2:
0x6f: {  	(tag) =	ssettag $0x2  }
0x70: {  	s0 =	rddreg [dreg:$0x0];
	s2 =	stileid.u32  }
0x71: {  	s1 =	rddreg [dreg:$0x1];
	p0 =	sne.s32 s2, $0x0  }
0x72: {  	s3 =	rddreg [dreg:$0x2];
	[bflag:$0x3] =	sbarrier.arrive $0xFFFF;
	s2 =	simm.s32 @!p0 $0x1C03  }
0x73: {  	[timem:s3], [sflag:s2] =	dma.local @!p0 [hbm:s0], s1  }
0x74: {  	s0 =	simm.s32 @!p0 $0x3  }
0x75: {  	_ =	swait.ge @!p0 [sflag:s0], s1  }
0x76: {  	s1 =	ssub.s32 @!p0 $0x0, s1;
	[sflag:s0] =	ssyncset.done @!p0 $0x0  }
0x77: {  	[sflag:s0] =	ssyncadd.s32 @!p0 s1  }
0x78: {  	[bflag:$0x3] =	sbarrier.arrive $0xFFFF  }
0x79: {  	_ =	shalt  }

</sc_bundles>
